<compile_context>
chip_gen: v7x
topology: tpu7x:2x2x1
jax: 0.10.2.dev20260603
libtpu: 0.0.44.dev20260713+nightly
codegen_flags: <defaults>
</compile_context>

<pallas_src>
import functools

import jax
import jax.numpy as jnp
from jax import lax
from jax.experimental import pallas as pl
from jax.experimental.pallas import tpu as pltpu
from jax.experimental.pallas import tpu_sc as plsc

_NW = 32
_CHUNK = 512
_LANES = 16


@functools.lru_cache(maxsize=None)
def _build(rows_total, n_rows_tab, emb):
    rows_per_w = rows_total // _NW
    n_gathers = rows_per_w // _CHUNK
    n_pairs = n_gathers // 2
    vec_per_gather = _CHUNK // _LANES

    mesh = plsc.VectorSubcoreMesh(core_axis_name="c", subcore_axis_name="s")

    @functools.partial(
        pl.kernel,
        mesh=mesh,
        compiler_params=pltpu.CompilerParams(use_tc_tiling_on_sc=False),
        out_type=jax.ShapeDtypeStruct((rows_total, emb), jnp.float32),
        scratch_types=[
            pltpu.VMEM((rows_per_w,), jnp.int32),
            pltpu.VMEM((rows_per_w,), jnp.int32),
            pltpu.VMEM((n_gathers, _CHUNK), jnp.int32),
            pltpu.VMEM((_CHUNK, emb), jnp.float32),
            pltpu.VMEM((_CHUNK, emb), jnp.float32),
            pltpu.VMEM_SHARED((n_rows_tab, emb), jnp.float32),
            pltpu.SemaphoreType.DMA,
            pltpu.SemaphoreType.DMA,
            pltpu.SemaphoreType.DMA,
            pltpu.SemaphoreType.DMA,
        ],
    )
    def k(xflat, offs, tab, out, xc_v, offs_v, idx_v, buf0, buf1, tab_sh,
          g0, g1, s0, s1):
        cid = lax.axis_index("c")
        sid = lax.axis_index("s")
        wid = sid * 2 + cid
        base = wid * rows_per_w

        @pl.when(sid == 0)
        def _():
            pltpu.sync_copy(tab, tab_sh)

        pltpu.sync_copy(xflat.at[pl.ds(base, rows_per_w)], xc_v)
        pltpu.sync_copy(offs, offs_v)

        def idx_body(j, _):
            for l in range(vec_per_gather):
                fo = j * _CHUNK + l * _LANES
                idx_v[j, pl.ds(l * _LANES, _LANES)] = (
                    xc_v[pl.ds(fo, _LANES)] + offs_v[pl.ds(fo, _LANES)]
                )
            return 0

        lax.fori_loop(0, n_gathers, idx_body, 0)

        plsc.subcore_barrier()

        bufs = (buf0, buf1)
        gsems = (g0, g1)
        ssems = (s0, s1)

        def gather(j, b):
            return pltpu.make_async_copy(
                tab_sh.at[idx_v.at[j]], bufs[b], gsems[b]
            )

        def store(j, b):
            return pltpu.make_async_copy(
                bufs[b],
                out.at[pl.ds(base + j * _CHUNK, _CHUNK)],
                ssems[b],
            )

        gather(0, 0).start()
        gather(1, 1).start()

        def pair_body(g, _):
            for b in range(2):
                j = g * 2 + b
                gather(j, b).wait()
                store(j, b).start()

                @pl.when(g < n_pairs - 1)
                def _():
                    store(j, b).wait()
                    gather(j + 2, b).start()

            return 0

        lax.fori_loop(0, n_pairs, pair_body, 0)

        store(n_gathers - 2, 0).wait()
        store(n_gathers - 1, 1).wait()

    return k


def kernel(x_cat, tables):
    batch, nf = x_cat.shape
    nf2, vocab, emb = tables.shape
    rows_total = batch * nf
    rows_per_w = rows_total // _NW

    xflat = x_cat.reshape(rows_total).astype(jnp.int32)
    tab = tables.reshape(nf2 * vocab, emb)
    offs = jnp.tile(jnp.arange(nf, dtype=jnp.int32) * vocab, rows_per_w // nf)

    out = _build(rows_total, nf2 * vocab, emb)(xflat, offs, tab)
    return out.reshape(batch, nf, emb)

# --- scband reference (transcript-rebuilt; emitter-appended) ---
"""Pipeline reference for scband-cembedding-17970143166696 (READ-ONLY COPY).

The authoritative reference and input builder live on the scoring server;
editing this copy changes nothing except your own understanding.
"""

import jax, jax.numpy as jnp
import numpy as np

NUM_FIELDS = 26
VOCAB = 100
EMB_DIM = 64
BATCH = 16384


def setup_inputs(seed: int = 0) -> dict:
    key = jax.random.key(seed)
    k1, k2 = jax.random.split(key)
    x_cat = jax.random.randint(k1, (BATCH, NUM_FIELDS), 0, VOCAB)
    # One embedding table per categorical field, stacked: [NUM_FIELDS, VOCAB, EMB_DIM]
    tables = jax.random.normal(k2, (NUM_FIELDS, VOCAB, EMB_DIM), dtype=jnp.float32)
    return {"x_cat": x_cat, "tables": tables}


def reference(x_cat, tables):
    # Faithful translation of CEmbedding.forward:
    #   x = [emb_i(x_cat[:, i]) for i, emb_i in enumerate(self.embeddings)]
    #   return torch.stack(x, 1)
    xs = [jnp.take(tables[i], x_cat[:, i], axis=0) for i in range(NUM_FIELDS)]
    return jnp.stack(xs, axis=1)

if __name__ == "__main__":
    import jax
    _d = setup_inputs()
    print(jax.jit(kernel)(*tuple(_d.values())))

</pallas_src>

<mosaic_0001>
#map = affine_map<(d0, d1) -> (0)>
#map1 = affine_map<(d0, d1) -> (0, 0)>
module attributes {stable_mosaic.version = 14 : i64} {
  func.func @k(%arg0: i32, %arg1: i32, %arg2: memref<425984xi32, #tpu.memory_space<hbm>>, %arg3: memref<13312xi32, #tpu.memory_space<hbm>>, %arg4: memref<2600x64xf32, #tpu.memory_space<hbm>>, %arg5: memref<425984x64xf32, #tpu.memory_space<hbm>>, %arg6: memref<13312xi32, #tpu.memory_space<vmem>>, %arg7: memref<13312xi32, #tpu.memory_space<vmem>>, %arg8: memref<26x512xi32, #tpu.memory_space<vmem>>, %arg9: memref<512x64xf32, #tpu.memory_space<vmem>>, %arg10: memref<512x64xf32, #tpu.memory_space<vmem>>, %arg11: memref<2600x64xf32, #tpu.memory_space<vmem_shared>>, %arg12: memref<!tpu.dma_semaphore, #tpu.memory_space<semaphore_mem>>, %arg13: memref<!tpu.dma_semaphore, #tpu.memory_space<semaphore_mem>>, %arg14: memref<!tpu.dma_semaphore, #tpu.memory_space<semaphore_mem>>, %arg15: memref<!tpu.dma_semaphore, #tpu.memory_space<semaphore_mem>>) attributes {dimension_semantics = [#tpu.dimension_semantics<core_parallel>, #tpu.dimension_semantics<subcore_parallel>], iteration_bounds = array<i64: 2, 16>, scalar_prefetch = 0 : i64, scratch_operands = 10 : i64, tpu.core_type = #tpu.core_type<sc_vector_subcore>, window_params = [{transform_indices = #map}, {transform_indices = #map}, {transform_indices = #map1}, {transform_indices = #map1}]} {
    %mul3A = arith.constant 2 : i32
    %mul3A_0 = arith.muli %arg1, %mul3A : i32
    %add3A = arith.addi %mul3A_0, %arg0 : i32
    %mul3A_1 = arith.constant 13312 : i32
    %mul3A_2 = arith.muli %add3A, %mul3A_1 : i32
    %eq3A = arith.constant 0 : i32
    %eq3A_3 = arith.cmpi eq, %arg1, %eq3A : i32
    %convert_element_type3A = arith.extui %eq3A_3 : i1 to i32
    %cond3A = arith.constant 0 : i32
    %cond3A_4 = arith.cmpi ne, %convert_element_type3A, %cond3A : i32
    scf.if %cond3A_4 {
      "tpu.region"() ({
        %run_scoped3A = tpu.sem_alloc : memref<!tpu.dma_semaphore, #tpu.memory_space<semaphore_mem>>
        tpu.enqueue_dma source(%arg4 : memref<2600x64xf32, #tpu.memory_space<hbm>>) target(%arg11 : memref<2600x64xf32, #tpu.memory_space<vmem_shared>>) target_semaphore(%run_scoped3A : memref<!tpu.dma_semaphore, #tpu.memory_space<semaphore_mem>>)
        tpu.wait_dma2 semaphore(%run_scoped3A : memref<!tpu.dma_semaphore, #tpu.memory_space<semaphore_mem>>) src(%arg4 : memref<2600x64xf32, #tpu.memory_space<hbm>>) dst(%arg11 : memref<2600x64xf32, #tpu.memory_space<vmem_shared>>)
        tpu.yield
      }) : () -> ()
    } else {
    }
    "tpu.region"() ({
      %run_scoped3A = tpu.sem_alloc : memref<!tpu.dma_semaphore, #tpu.memory_space<semaphore_mem>>
      %dma_start3A_42 = tpu.memref_slice %arg2[%mul3A_2] : memref<425984xi32, #tpu.memory_space<hbm>> -> memref<13312xi32, #tpu.memory_space<hbm>>
      %dma_start3A_43 = tpu.memref_slice %arg2[%mul3A_2] : memref<425984xi32, #tpu.memory_space<hbm>> -> memref<13312xi32, #tpu.memory_space<hbm>>
      tpu.enqueue_dma source(%dma_start3A_43 : memref<13312xi32, #tpu.memory_space<hbm>>) target(%arg6 : memref<13312xi32, #tpu.memory_space<vmem>>) target_semaphore(%run_scoped3A : memref<!tpu.dma_semaphore, #tpu.memory_space<semaphore_mem>>)
      %dma_wait3A_44 = tpu.memref_slice %arg2[%mul3A_2] : memref<425984xi32, #tpu.memory_space<hbm>> -> memref<13312xi32, #tpu.memory_space<hbm>>
      %dma_wait3A_45 = tpu.memref_slice %arg2[%mul3A_2] : memref<425984xi32, #tpu.memory_space<hbm>> -> memref<13312xi32, #tpu.memory_space<hbm>>
      tpu.wait_dma2 semaphore(%run_scoped3A : memref<!tpu.dma_semaphore, #tpu.memory_space<semaphore_mem>>) src(%dma_wait3A_45 : memref<13312xi32, #tpu.memory_space<hbm>>) dst(%arg6 : memref<13312xi32, #tpu.memory_space<vmem>>)
      tpu.yield
    }) : () -> ()
    "tpu.region"() ({
      %run_scoped3A = tpu.sem_alloc : memref<!tpu.dma_semaphore, #tpu.memory_space<semaphore_mem>>
      tpu.enqueue_dma source(%arg3 : memref<13312xi32, #tpu.memory_space<hbm>>) target(%arg7 : memref<13312xi32, #tpu.memory_space<vmem>>) target_semaphore(%run_scoped3A : memref<!tpu.dma_semaphore, #tpu.memory_space<semaphore_mem>>)
      tpu.wait_dma2 semaphore(%run_scoped3A : memref<!tpu.dma_semaphore, #tpu.memory_space<semaphore_mem>>) src(%arg3 : memref<13312xi32, #tpu.memory_space<hbm>>) dst(%arg7 : memref<13312xi32, #tpu.memory_space<vmem>>)
      tpu.yield
    }) : () -> ()
    %scan3A = arith.constant 0 : i32
    %scan3A_5 = arith.constant 0 : i32
    %scan3A_6 = arith.constant 26 : i32
    %scan3A_7 = arith.addi %scan3A_5, %scan3A_6 : i32
    %scan3A_8 = arith.constant 1 : i32
    %scan3A_9 = scf.for %scan3A_42 = %scan3A_5 to %scan3A_7 step %scan3A_8 iter_args(%scan3A_43 = %scan3A) -> (i32)  : i32 {
      %mul3A_44 = arith.constant 512 : i32
      %mul3A_45 = arith.muli %scan3A_42, %mul3A_44 : i32
      %add3A_46 = arith.constant 0 : i32
      %add3A_47 = arith.addi %mul3A_45, %add3A_46 : i32
      %get3A = arith.index_cast %add3A_47 : i32 to index
      %get3A_48 = tpu.vector_load %arg6[%get3A] {strides = array<i32>} : memref<13312xi32, #tpu.memory_space<vmem>>, vector<16xi32>,
      %get3A_49 = vector.shape_cast %get3A_48 : vector<16xi32> to vector<16xi32>
      %get3A_50 = arith.index_cast %add3A_47 : i32 to index
      %get3A_51 = tpu.vector_load %arg7[%get3A_50] {strides = array<i32>} : memref<13312xi32, #tpu.memory_space<vmem>>, vector<16xi32>,
      %get3A_52 = vector.shape_cast %get3A_51 : vector<16xi32> to vector<16xi32>
      %add3A_53 = arith.addi %get3A_49, %get3A_52 : vector<16xi32>
      %swap3A = arith.index_cast %scan3A_42 : i32 to index
      %swap3A_54 = arith.constant 0 : index
      %swap3A_55 = tpu.vector_load %arg8[%swap3A, %swap3A_54] {strides = array<i32>} : memref<26x512xi32, #tpu.memory_space<vmem>>, vector<1x16xi32>,
      %swap3A_56 = vector.shape_cast %swap3A_55 : vector<1x16xi32> to vector<16xi32>
      %swap3A_57 = vector.shape_cast %add3A_53 : vector<16xi32> to vector<1x16xi32>
      tpu.vector_store %arg8[%swap3A, %swap3A_54], %swap3A_57 {strides = array<i32>} : memref<26x512xi32, #tpu.memory_space<vmem>>, vector<1x16xi32>,
      %mul3A_58 = arith.constant 512 : i32
      %mul3A_59 = arith.muli %scan3A_42, %mul3A_58 : i32
      %add3A_60 = arith.constant 16 : i32
      %add3A_61 = arith.addi %mul3A_59, %add3A_60 : i32
      %get3A_62 = arith.index_cast %add3A_61 : i32 to index
      %get3A_63 = tpu.vector_load %arg6[%get3A_62] {strides = array<i32>} : memref<13312xi32, #tpu.memory_space<vmem>>, vector<16xi32>,
      %get3A_64 = vector.shape_cast %get3A_63 : vector<16xi32> to vector<16xi32>
      %get3A_65 = arith.index_cast %add3A_61 : i32 to index
      %get3A_66 = tpu.vector_load %arg7[%get3A_65] {strides = array<i32>} : memref<13312xi32, #tpu.memory_space<vmem>>, vector<16xi32>,
      %get3A_67 = vector.shape_cast %get3A_66 : vector<16xi32> to vector<16xi32>
      %add3A_68 = arith.addi %get3A_64, %get3A_67 : vector<16xi32>
      %swap3A_69 = arith.index_cast %scan3A_42 : i32 to index
      %swap3A_70 = arith.constant 16 : index
      %swap3A_71 = tpu.vector_load %arg8[%swap3A_69, %swap3A_70] {strides = array<i32>} : memref<26x512xi32, #tpu.memory_space<vmem>>, vector<1x16xi32>,
      %swap3A_72 = vector.shape_cast %swap3A_71 : vector<1x16xi32> to vector<16xi32>
      %swap3A_73 = vector.shape_cast %add3A_68 : vector<16xi32> to vector<1x16xi32>
      tpu.vector_store %arg8[%swap3A_69, %swap3A_70], %swap3A_73 {strides = array<i32>} : memref<26x512xi32, #tpu.memory_space<vmem>>, vector<1x16xi32>,
      %mul3A_74 = arith.constant 512 : i32
      %mul3A_75 = arith.muli %scan3A_42, %mul3A_74 : i32
      %add3A_76 = arith.constant 32 : i32
      %add3A_77 = arith.addi %mul3A_75, %add3A_76 : i32
      %get3A_78 = arith.index_cast %add3A_77 : i32 to index
      %get3A_79 = tpu.vector_load %arg6[%get3A_78] {strides = array<i32>} : memref<13312xi32, #tpu.memory_space<vmem>>, vector<16xi32>,
      %get3A_80 = vector.shape_cast %get3A_79 : vector<16xi32> to vector<16xi32>
      %get3A_81 = arith.index_cast %add3A_77 : i32 to index
      %get3A_82 = tpu.vector_load %arg7[%get3A_81] {strides = array<i32>} : memref<13312xi32, #tpu.memory_space<vmem>>, vector<16xi32>,
      %get3A_83 = vector.shape_cast %get3A_82 : vector<16xi32> to vector<16xi32>
      %add3A_84 = arith.addi %get3A_80, %get3A_83 : vector<16xi32>
      %swap3A_85 = arith.index_cast %scan3A_42 : i32 to index
      %swap3A_86 = arith.constant 32 : index
      %swap3A_87 = tpu.vector_load %arg8[%swap3A_85, %swap3A_86] {strides = array<i32>} : memref<26x512xi32, #tpu.memory_space<vmem>>, vector<1x16xi32>,
      %swap3A_88 = vector.shape_cast %swap3A_87 : vector<1x16xi32> to vector<16xi32>
      %swap3A_89 = vector.shape_cast %add3A_84 : vector<16xi32> to vector<1x16xi32>
      tpu.vector_store %arg8[%swap3A_85, %swap3A_86], %swap3A_89 {strides = array<i32>} : memref<26x512xi32, #tpu.memory_space<vmem>>, vector<1x16xi32>,
      %mul3A_90 = arith.constant 512 : i32
      %mul3A_91 = arith.muli %scan3A_42, %mul3A_90 : i32
      %add3A_92 = arith.constant 48 : i32
      %add3A_93 = arith.addi %mul3A_91, %add3A_92 : i32
      %get3A_94 = arith.index_cast %add3A_93 : i32 to index
      %get3A_95 = tpu.vector_load %arg6[%get3A_94] {strides = array<i32>} : memref<13312xi32, #tpu.memory_space<vmem>>, vector<16xi32>,
      %get3A_96 = vector.shape_cast %get3A_95 : vector<16xi32> to vector<16xi32>
      %get3A_97 = arith.index_cast %add3A_93 : i32 to index
      %get3A_98 = tpu.vector_load %arg7[%get3A_97] {strides = array<i32>} : memref<13312xi32, #tpu.memory_space<vmem>>, vector<16xi32>,
      %get3A_99 = vector.shape_cast %get3A_98 : vector<16xi32> to vector<16xi32>
      %add3A_100 = arith.addi %get3A_96, %get3A_99 : vector<16xi32>
      %swap3A_101 = arith.index_cast %scan3A_42 : i32 to index
      %swap3A_102 = arith.constant 48 : index
      %swap3A_103 = tpu.vector_load %arg8[%swap3A_101, %swap3A_102] {strides = array<i32>} : memref<26x512xi32, #tpu.memory_space<vmem>>, vector<1x16xi32>,
      %swap3A_104 = vector.shape_cast %swap3A_103 : vector<1x16xi32> to vector<16xi32>
      %swap3A_105 = vector.shape_cast %add3A_100 : vector<16xi32> to vector<1x16xi32>
      tpu.vector_store %arg8[%swap3A_101, %swap3A_102], %swap3A_105 {strides = array<i32>} : memref<26x512xi32, #tpu.memory_space<vmem>>, vector<1x16xi32>,
      %mul3A_106 = arith.constant 512 : i32
      %mul3A_107 = arith.muli %scan3A_42, %mul3A_106 : i32
      %add3A_108 = arith.constant 64 : i32
      %add3A_109 = arith.addi %mul3A_107, %add3A_108 : i32
      %get3A_110 = arith.index_cast %add3A_109 : i32 to index
      %get3A_111 = tpu.vector_load %arg6[%get3A_110] {strides = array<i32>} : memref<13312xi32, #tpu.memory_space<vmem>>, vector<16xi32>,
      %get3A_112 = vector.shape_cast %get3A_111 : vector<16xi32> to vector<16xi32>
      %get3A_113 = arith.index_cast %add3A_109 : i32 to index
      %get3A_114 = tpu.vector_load %arg7[%get3A_113] {strides = array<i32>} : memref<13312xi32, #tpu.memory_space<vmem>>, vector<16xi32>,
      %get3A_115 = vector.shape_cast %get3A_114 : vector<16xi32> to vector<16xi32>
      %add3A_116 = arith.addi %get3A_112, %get3A_115 : vector<16xi32>
      %swap3A_117 = arith.index_cast %scan3A_42 : i32 to index
      %swap3A_118 = arith.constant 64 : index
      %swap3A_119 = tpu.vector_load %arg8[%swap3A_117, %swap3A_118] {strides = array<i32>} : memref<26x512xi32, #tpu.memory_space<vmem>>, vector<1x16xi32>,
      %swap3A_120 = vector.shape_cast %swap3A_119 : vector<1x16xi32> to vector<16xi32>
      %swap3A_121 = vector.shape_cast %add3A_116 : vector<16xi32> to vector<1x16xi32>
      tpu.vector_store %arg8[%swap3A_117, %swap3A_118], %swap3A_121 {strides = array<i32>} : memref<26x512xi32, #tpu.memory_space<vmem>>, vector<1x16xi32>,
      %mul3A_122 = arith.constant 512 : i32
      %mul3A_123 = arith.muli %scan3A_42, %mul3A_122 : i32
      %add3A_124 = arith.constant 80 : i32
      %add3A_125 = arith.addi %mul3A_123, %add3A_124 : i32
      %get3A_126 = arith.index_cast %add3A_125 : i32 to index
      %get3A_127 = tpu.vector_load %arg6[%get3A_126] {strides = array<i32>} : memref<13312xi32, #tpu.memory_space<vmem>>, vector<16xi32>,
      %get3A_128 = vector.shape_cast %get3A_127 : vector<16xi32> to vector<16xi32>
      %get3A_129 = arith.index_cast %add3A_125 : i32 to index
      %get3A_130 = tpu.vector_load %arg7[%get3A_129] {strides = array<i32>} : memref<13312xi32, #tpu.memory_space<vmem>>, vector<16xi32>,
      %get3A_131 = vector.shape_cast %get3A_130 : vector<16xi32> to vector<16xi32>
      %add3A_132 = arith.addi %get3A_128, %get3A_131 : vector<16xi32>
      %swap3A_133 = arith.index_cast %scan3A_42 : i32 to index
      %swap3A_134 = arith.constant 80 : index
      %swap3A_135 = tpu.vector_load %arg8[%swap3A_133, %swap3A_134] {strides = array<i32>} : memref<26x512xi32, #tpu.memory_space<vmem>>, vector<1x16xi32>,
      %swap3A_136 = vector.shape_cast %swap3A_135 : vector<1x16xi32> to vector<16xi32>
      %swap3A_137 = vector.shape_cast %add3A_132 : vector<16xi32> to vector<1x16xi32>
      tpu.vector_store %arg8[%swap3A_133, %swap3A_134], %swap3A_137 {strides = array<i32>} : memref<26x512xi32, #tpu.memory_space<vmem>>, vector<1x16xi32>,
      %mul3A_138 = arith.constant 512 : i32
      %mul3A_139 = arith.muli %scan3A_42, %mul3A_138 : i32
      %add3A_140 = arith.constant 96 : i32
      %add3A_141 = arith.addi %mul3A_139, %add3A_140 : i32
      %get3A_142 = arith.index_cast %add3A_141 : i32 to index
      %get3A_143 = tpu.vector_load %arg6[%get3A_142] {strides = array<i32>} : memref<13312xi32, #tpu.memory_space<vmem>>, vector<16xi32>,
      %get3A_144 = vector.shape_cast %get3A_143 : vector<16xi32> to vector<16xi32>
      %get3A_145 = arith.index_cast %add3A_141 : i32 to index
      %get3A_146 = tpu.vector_load %arg7[%get3A_145] {strides = array<i32>} : memref<13312xi32, #tpu.memory_space<vmem>>, vector<16xi32>,
      %get3A_147 = vector.shape_cast %get3A_146 : vector<16xi32> to vector<16xi32>
      %add3A_148 = arith.addi %get3A_144, %get3A_147 : vector<16xi32>
      %swap3A_149 = arith.index_cast %scan3A_42 : i32 to index
      %swap3A_150 = arith.constant 96 : index
      %swap3A_151 = tpu.vector_load %arg8[%swap3A_149, %swap3A_150] {strides = array<i32>} : memref<26x512xi32, #tpu.memory_space<vmem>>, vector<1x16xi32>,
      %swap3A_152 = vector.shape_cast %swap3A_151 : vector<1x16xi32> to vector<16xi32>
      %swap3A_153 = vector.shape_cast %add3A_148 : vector<16xi32> to vector<1x16xi32>
      tpu.vector_store %arg8[%swap3A_149, %swap3A_150], %swap3A_153 {strides = array<i32>} : memref<26x512xi32, #tpu.memory_space<vmem>>, vector<1x16xi32>,
      %mul3A_154 = arith.constant 512 : i32
      %mul3A_155 = arith.muli %scan3A_42, %mul3A_154 : i32
      %add3A_156 = arith.constant 112 : i32
      %add3A_157 = arith.addi %mul3A_155, %add3A_156 : i32
      %get3A_158 = arith.index_cast %add3A_157 : i32 to index
      %get3A_159 = tpu.vector_load %arg6[%get3A_158] {strides = array<i32>} : memref<13312xi32, #tpu.memory_space<vmem>>, vector<16xi32>,
      %get3A_160 = vector.shape_cast %get3A_159 : vector<16xi32> to vector<16xi32>
      %get3A_161 = arith.index_cast %add3A_157 : i32 to index
      %get3A_162 = tpu.vector_load %arg7[%get3A_161] {strides = array<i32>} : memref<13312xi32, #tpu.memory_space<vmem>>, vector<16xi32>,
      %get3A_163 = vector.shape_cast %get3A_162 : vector<16xi32> to vector<16xi32>
      %add3A_164 = arith.addi %get3A_160, %get3A_163 : vector<16xi32>
      %swap3A_165 = arith.index_cast %scan3A_42 : i32 to index
      %swap3A_166 = arith.constant 112 : index
      %swap3A_167 = tpu.vector_load %arg8[%swap3A_165, %swap3A_166] {strides = array<i32>} : memref<26x512xi32, #tpu.memory_space<vmem>>, vector<1x16xi32>,
      %swap3A_168 = vector.shape_cast %swap3A_167 : vector<1x16xi32> to vector<16xi32>
      %swap3A_169 = vector.shape_cast %add3A_164 : vector<16xi32> to vector<1x16xi32>
      tpu.vector_store %arg8[%swap3A_165, %swap3A_166], %swap3A_169 {strides = array<i32>} : memref<26x512xi32, #tpu.memory_space<vmem>>, vector<1x16xi32>,
      %mul3A_170 = arith.constant 512 : i32
      %mul3A_171 = arith.muli %scan3A_42, %mul3A_170 : i32
      %add3A_172 = arith.constant 128 : i32
      %add3A_173 = arith.addi %mul3A_171, %add3A_172 : i32
      %get3A_174 = arith.index_cast %add3A_173 : i32 to index
      %get3A_175 = tpu.vector_load %arg6[%get3A_174] {strides = array<i32>} : memref<13312xi32, #tpu.memory_space<vmem>>, vector<16xi32>,
      %get3A_176 = vector.shape_cast %get3A_175 : vector<16xi32> to vector<16xi32>
      %get3A_177 = arith.index_cast %add3A_173 : i32 to index
      %get3A_178 = tpu.vector_load %arg7[%get3A_177] {strides = array<i32>} : memref<13312xi32, #tpu.memory_space<vmem>>, vector<16xi32>,
      %get3A_179 = vector.shape_cast %get3A_178 : vector<16xi32> to vector<16xi32>
      %add3A_180 = arith.addi %get3A_176, %get3A_179 : vector<16xi32>
      %swap3A_181 = arith.index_cast %scan3A_42 : i32 to index
      %swap3A_182 = arith.constant 128 : index
      %swap3A_183 = tpu.vector_load %arg8[%swap3A_181, %swap3A_182] {strides = array<i32>} : memref<26x512xi32, #tpu.memory_space<vmem>>, vector<1x16xi32>,
      %swap3A_184 = vector.shape_cast %swap3A_183 : vector<1x16xi32> to vector<16xi32>
      %swap3A_185 = vector.shape_cast %add3A_180 : vector<16xi32> to vector<1x16xi32>
      tpu.vector_store %arg8[%swap3A_181, %swap3A_182], %swap3A_185 {strides = array<i32>} : memref<26x512xi32, #tpu.memory_space<vmem>>, vector<1x16xi32>,
      %mul3A_186 = arith.constant 512 : i32
      %mul3A_187 = arith.muli %scan3A_42, %mul3A_186 : i32
      %add3A_188 = arith.constant 144 : i32
      %add3A_189 = arith.addi %mul3A_187, %add3A_188 : i32
      %get3A_190 = arith.index_cast %add3A_189 : i32 to index
      %get3A_191 = tpu.vector_load %arg6[%get3A_190] {strides = array<i32>} : memref<13312xi32, #tpu.memory_space<vmem>>, vector<16xi32>,
      %get3A_192 = vector.shape_cast %get3A_191 : vector<16xi32> to vector<16xi32>
      %get3A_193 = arith.index_cast %add3A_189 : i32 to index
      %get3A_194 = tpu.vector_load %arg7[%get3A_193] {strides = array<i32>} : memref<13312xi32, #tpu.memory_space<vmem>>, vector<16xi32>,
      %get3A_195 = vector.shape_cast %get3A_194 : vector<16xi32> to vector<16xi32>
      %add3A_196 = arith.addi %get3A_192, %get3A_195 : vector<16xi32>
      %swap3A_197 = arith.index_cast %scan3A_42 : i32 to index
      %swap3A_198 = arith.constant 144 : index
      %swap3A_199 = tpu.vector_load %arg8[%swap3A_197, %swap3A_198] {strides = array<i32>} : memref<26x512xi32, #tpu.memory_space<vmem>>, vector<1x16xi32>,
      %swap3A_200 = vector.shape_cast %swap3A_199 : vector<1x16xi32> to vector<16xi32>
      %swap3A_201 = vector.shape_cast %add3A_196 : vector<16xi32> to vector<1x16xi32>
      tpu.vector_store %arg8[%swap3A_197, %swap3A_198], %swap3A_201 {strides = array<i32>} : memref<26x512xi32, #tpu.memory_space<vmem>>, vector<1x16xi32>,
      %mul3A_202 = arith.constant 512 : i32
      %mul3A_203 = arith.muli %scan3A_42, %mul3A_202 : i32
      %add3A_204 = arith.constant 160 : i32
      %add3A_205 = arith.addi %mul3A_203, %add3A_204 : i32
      %get3A_206 = arith.index_cast %add3A_205 : i32 to index
      %get3A_207 = tpu.vector_load %arg6[%get3A_206] {strides = array<i32>} : memref<13312xi32, #tpu.memory_space<vmem>>, vector<16xi32>,
      %get3A_208 = vector.shape_cast %get3A_207 : vector<16xi32> to vector<16xi32>
      %get3A_209 = arith.index_cast %add3A_205 : i32 to index
      %get3A_210 = tpu.vector_load %arg7[%get3A_209] {strides = array<i32>} : memref<13312xi32, #tpu.memory_space<vmem>>, vector<16xi32>,
      %get3A_211 = vector.shape_cast %get3A_210 : vector<16xi32> to vector<16xi32>
      %add3A_212 = arith.addi %get3A_208, %get3A_211 : vector<16xi32>
      %swap3A_213 = arith.index_cast %scan3A_42 : i32 to index
      %swap3A_214 = arith.constant 160 : index
      %swap3A_215 = tpu.vector_load %arg8[%swap3A_213, %swap3A_214] {strides = array<i32>} : memref<26x512xi32, #tpu.memory_space<vmem>>, vector<1x16xi32>,
      %swap3A_216 = vector.shape_cast %swap3A_215 : vector<1x16xi32> to vector<16xi32>
      %swap3A_217 = vector.shape_cast %add3A_212 : vector<16xi32> to vector<1x16xi32>
      tpu.vector_store %arg8[%swap3A_213, %swap3A_214], %swap3A_217 {strides = array<i32>} : memref<26x512xi32, #tpu.memory_space<vmem>>, vector<1x16xi32>,
      %mul3A_218 = arith.constant 512 : i32
      %mul3A_219 = arith.muli %scan3A_42, %mul3A_218 : i32
      %add3A_220 = arith.constant 176 : i32
      %add3A_221 = arith.addi %mul3A_219, %add3A_220 : i32
      %get3A_222 = arith.index_cast %add3A_221 : i32 to index
      %get3A_223 = tpu.vector_load %arg6[%get3A_222] {strides = array<i32>} : memref<13312xi32, #tpu.memory_space<vmem>>, vector<16xi32>,
      %get3A_224 = vector.shape_cast %get3A_223 : vector<16xi32> to vector<16xi32>
      %get3A_225 = arith.index_cast %add3A_221 : i32 to index
      %get3A_226 = tpu.vector_load %arg7[%get3A_225] {strides = array<i32>} : memref<13312xi32, #tpu.memory_space<vmem>>, vector<16xi32>,
      %get3A_227 = vector.shape_cast %get3A_226 : vector<16xi32> to vector<16xi32>
      %add3A_228 = arith.addi %get3A_224, %get3A_227 : vector<16xi32>
      %swap3A_229 = arith.index_cast %scan3A_42 : i32 to index
      %swap3A_230 = arith.constant 176 : index
      %swap3A_231 = tpu.vector_load %arg8[%swap3A_229, %swap3A_230] {strides = array<i32>} : memref<26x512xi32, #tpu.memory_space<vmem>>, vector<1x16xi32>,
      %swap3A_232 = vector.shape_cast %swap3A_231 : vector<1x16xi32> to vector<16xi32>
      %swap3A_233 = vector.shape_cast %add3A_228 : vector<16xi32> to vector<1x16xi32>
      tpu.vector_store %arg8[%swap3A_229, %swap3A_230], %swap3A_233 {strides = array<i32>} : memref<26x512xi32, #tpu.memory_space<vmem>>, vector<1x16xi32>,
      %mul3A_234 = arith.constant 512 : i32
      %mul3A_235 = arith.muli %scan3A_42, %mul3A_234 : i32
      %add3A_236 = arith.constant 192 : i32
      %add3A_237 = arith.addi %mul3A_235, %add3A_236 : i32
      %get3A_238 = arith.index_cast %add3A_237 : i32 to index
      %get3A_239 = tpu.vector_load %arg6[%get3A_238] {strides = array<i32>} : memref<13312xi32, #tpu.memory_space<vmem>>, vector<16xi32>,
      %get3A_240 = vector.shape_cast %get3A_239 : vector<16xi32> to vector<16xi32>
      %get3A_241 = arith.index_cast %add3A_237 : i32 to index
      %get3A_242 = tpu.vector_load %arg7[%get3A_241] {strides = array<i32>} : memref<13312xi32, #tpu.memory_space<vmem>>, vector<16xi32>,
      %get3A_243 = vector.shape_cast %get3A_242 : vector<16xi32> to vector<16xi32>
      %add3A_244 = arith.addi %get3A_240, %get3A_243 : vector<16xi32>
      %swap3A_245 = arith.index_cast %scan3A_42 : i32 to index
      %swap3A_246 = arith.constant 192 : index
      %swap3A_247 = tpu.vector_load %arg8[%swap3A_245, %swap3A_246] {strides = array<i32>} : memref<26x512xi32, #tpu.memory_space<vmem>>, vector<1x16xi32>,
      %swap3A_248 = vector.shape_cast %swap3A_247 : vector<1x16xi32> to vector<16xi32>
      %swap3A_249 = vector.shape_cast %add3A_244 : vector<16xi32> to vector<1x16xi32>
      tpu.vector_store %arg8[%swap3A_245, %swap3A_246], %swap3A_249 {strides = array<i32>} : memref<26x512xi32, #tpu.memory_space<vmem>>, vector<1x16xi32>,
      %mul3A_250 = arith.constant 512 : i32
      %mul3A_251 = arith.muli %scan3A_42, %mul3A_250 : i32
      %add3A_252 = arith.constant 208 : i32
      %add3A_253 = arith.addi %mul3A_251, %add3A_252 : i32
      %get3A_254 = arith.index_cast %add3A_253 : i32 to index
      %get3A_255 = tpu.vector_load %arg6[%get3A_254] {strides = array<i32>} : memref<13312xi32, #tpu.memory_space<vmem>>, vector<16xi32>,
      %get3A_256 = vector.shape_cast %get3A_255 : vector<16xi32> to vector<16xi32>
      %get3A_257 = arith.index_cast %add3A_253 : i32 to index
      %get3A_258 = tpu.vector_load %arg7[%get3A_257] {strides = array<i32>} : memref<13312xi32, #tpu.memory_space<vmem>>, vector<16xi32>,
      %get3A_259 = vector.shape_cast %get3A_258 : vector<16xi32> to vector<16xi32>
      %add3A_260 = arith.addi %get3A_256, %get3A_259 : vector<16xi32>
      %swap3A_261 = arith.index_cast %scan3A_42 : i32 to index
      %swap3A_262 = arith.constant 208 : index
      %swap3A_263 = tpu.vector_load %arg8[%swap3A_261, %swap3A_262] {strides = array<i32>} : memref<26x512xi32, #tpu.memory_space<vmem>>, vector<1x16xi32>,
      %swap3A_264 = vector.shape_cast %swap3A_263 : vector<1x16xi32> to vector<16xi32>
      %swap3A_265 = vector.shape_cast %add3A_260 : vector<16xi32> to vector<1x16xi32>
      tpu.vector_store %arg8[%swap3A_261, %swap3A_262], %swap3A_265 {strides = array<i32>} : memref<26x512xi32, #tpu.memory_space<vmem>>, vector<1x16xi32>,
      %mul3A_266 = arith.constant 512 : i32
      %mul3A_267 = arith.muli %scan3A_42, %mul3A_266 : i32
      %add3A_268 = arith.constant 224 : i32
      %add3A_269 = arith.addi %mul3A_267, %add3A_268 : i32
      %get3A_270 = arith.index_cast %add3A_269 : i32 to index
      %get3A_271 = tpu.vector_load %arg6[%get3A_270] {strides = array<i32>} : memref<13312xi32, #tpu.memory_space<vmem>>, vector<16xi32>,
      %get3A_272 = vector.shape_cast %get3A_271 : vector<16xi32> to vector<16xi32>
      %get3A_273 = arith.index_cast %add3A_269 : i32 to index
      %get3A_274 = tpu.vector_load %arg7[%get3A_273] {strides = array<i32>} : memref<13312xi32, #tpu.memory_space<vmem>>, vector<16xi32>,
      %get3A_275 = vector.shape_cast %get3A_274 : vector<16xi32> to vector<16xi32>
      %add3A_276 = arith.addi %get3A_272, %get3A_275 : vector<16xi32>
      %swap3A_277 = arith.index_cast %scan3A_42 : i32 to index
      %swap3A_278 = arith.constant 224 : index
      %swap3A_279 = tpu.vector_load %arg8[%swap3A_277, %swap3A_278] {strides = array<i32>} : memref<26x512xi32, #tpu.memory_space<vmem>>, vector<1x16xi32>,
      %swap3A_280 = vector.shape_cast %swap3A_279 : vector<1x16xi32> to vector<16xi32>
      %swap3A_281 = vector.shape_cast %add3A_276 : vector<16xi32> to vector<1x16xi32>
      tpu.vector_store %arg8[%swap3A_277, %swap3A_278], %swap3A_281 {strides = array<i32>} : memref<26x512xi32, #tpu.memory_space<vmem>>, vector<1x16xi32>,
      %mul3A_282 = arith.constant 512 : i32
      %mul3A_283 = arith.muli %scan3A_42, %mul3A_282 : i32
      %add3A_284 = arith.constant 240 : i32
      %add3A_285 = arith.addi %mul3A_283, %add3A_284 : i32
      %get3A_286 = arith.index_cast %add3A_285 : i32 to index
      %get3A_287 = tpu.vector_load %arg6[%get3A_286] {strides = array<i32>} : memref<13312xi32, #tpu.memory_space<vmem>>, vector<16xi32>,
      %get3A_288 = vector.shape_cast %get3A_287 : vector<16xi32> to vector<16xi32>
      %get3A_289 = arith.index_cast %add3A_285 : i32 to index
      %get3A_290 = tpu.vector_load %arg7[%get3A_289] {strides = array<i32>} : memref<13312xi32, #tpu.memory_space<vmem>>, vector<16xi32>,
      %get3A_291 = vector.shape_cast %get3A_290 : vector<16xi32> to vector<16xi32>
      %add3A_292 = arith.addi %get3A_288, %get3A_291 : vector<16xi32>
      %swap3A_293 = arith.index_cast %scan3A_42 : i32 to index
      %swap3A_294 = arith.constant 240 : index
      %swap3A_295 = tpu.vector_load %arg8[%swap3A_293, %swap3A_294] {strides = array<i32>} : memref<26x512xi32, #tpu.memory_space<vmem>>, vector<1x16xi32>,
      %swap3A_296 = vector.shape_cast %swap3A_295 : vector<1x16xi32> to vector<16xi32>
      %swap3A_297 = vector.shape_cast %add3A_292 : vector<16xi32> to vector<1x16xi32>
      tpu.vector_store %arg8[%swap3A_293, %swap3A_294], %swap3A_297 {strides = array<i32>} : memref<26x512xi32, #tpu.memory_space<vmem>>, vector<1x16xi32>,
      %mul3A_298 = arith.constant 512 : i32
      %mul3A_299 = arith.muli %scan3A_42, %mul3A_298 : i32
      %add3A_300 = arith.constant 256 : i32
      %add3A_301 = arith.addi %mul3A_299, %add3A_300 : i32
      %get3A_302 = arith.index_cast %add3A_301 : i32 to index
      %get3A_303 = tpu.vector_load %arg6[%get3A_302] {strides = array<i32>} : memref<13312xi32, #tpu.memory_space<vmem>>, vector<16xi32>,
      %get3A_304 = vector.shape_cast %get3A_303 : vector<16xi32> to vector<16xi32>
      %get3A_305 = arith.index_cast %add3A_301 : i32 to index
      %get3A_306 = tpu.vector_load %arg7[%get3A_305] {strides = array<i32>} : memref<13312xi32, #tpu.memory_space<vmem>>, vector<16xi32>,
      %get3A_307 = vector.shape_cast %get3A_306 : vector<16xi32> to vector<16xi32>
      %add3A_308 = arith.addi %get3A_304, %get3A_307 : vector<16xi32>
      %swap3A_309 = arith.index_cast %scan3A_42 : i32 to index
      %swap3A_310 = arith.constant 256 : index
      %swap3A_311 = tpu.vector_load %arg8[%swap3A_309, %swap3A_310] {strides = array<i32>} : memref<26x512xi32, #tpu.memory_space<vmem>>, vector<1x16xi32>,
      %swap3A_312 = vector.shape_cast %swap3A_311 : vector<1x16xi32> to vector<16xi32>
      %swap3A_313 = vector.shape_cast %add3A_308 : vector<16xi32> to vector<1x16xi32>
      tpu.vector_store %arg8[%swap3A_309, %swap3A_310], %swap3A_313 {strides = array<i32>} : memref<26x512xi32, #tpu.memory_space<vmem>>, vector<1x16xi32>,
      %mul3A_314 = arith.constant 512 : i32
      %mul3A_315 = arith.muli %scan3A_42, %mul3A_314 : i32
      %add3A_316 = arith.constant 272 : i32
      %add3A_317 = arith.addi %mul3A_315, %add3A_316 : i32
      %get3A_318 = arith.index_cast %add3A_317 : i32 to index
      %get3A_319 = tpu.vector_load %arg6[%get3A_318] {strides = array<i32>} : memref<13312xi32, #tpu.memory_space<vmem>>, vector<16xi32>,
      %get3A_320 = vector.shape_cast %get3A_319 : vector<16xi32> to vector<16xi32>
      %get3A_321 = arith.index_cast %add3A_317 : i32 to index
      %get3A_322 = tpu.vector_load %arg7[%get3A_321] {strides = array<i32>} : memref<13312xi32, #tpu.memory_space<vmem>>, vector<16xi32>,
      %get3A_323 = vector.shape_cast %get3A_322 : vector<16xi32> to vector<16xi32>
      %add3A_324 = arith.addi %get3A_320, %get3A_323 : vector<16xi32>
      %swap3A_325 = arith.index_cast %scan3A_42 : i32 to index
      %swap3A_326 = arith.constant 272 : index
      %swap3A_327 = tpu.vector_load %arg8[%swap3A_325, %swap3A_326] {strides = array<i32>} : memref<26x512xi32, #tpu.memory_space<vmem>>, vector<1x16xi32>,
      %swap3A_328 = vector.shape_cast %swap3A_327 : vector<1x16xi32> to vector<16xi32>
      %swap3A_329 = vector.shape_cast %add3A_324 : vector<16xi32> to vector<1x16xi32>
      tpu.vector_store %arg8[%swap3A_325, %swap3A_326], %swap3A_329 {strides = array<i32>} : memref<26x512xi32, #tpu.memory_space<vmem>>, vector<1x16xi32>,
      %mul3A_330 = arith.constant 512 : i32
      %mul3A_331 = arith.muli %scan3A_42, %mul3A_330 : i32
      %add3A_332 = arith.constant 288 : i32
      %add3A_333 = arith.addi %mul3A_331, %add3A_332 : i32
      %get3A_334 = arith.index_cast %add3A_333 : i32 to index
      %get3A_335 = tpu.vector_load %arg6[%get3A_334] {strides = array<i32>} : memref<13312xi32, #tpu.memory_space<vmem>>, vector<16xi32>,
      %get3A_336 = vector.shape_cast %get3A_335 : vector<16xi32> to vector<16xi32>
      %get3A_337 = arith.index_cast %add3A_333 : i32 to index
      %get3A_338 = tpu.vector_load %arg7[%get3A_337] {strides = array<i32>} : memref<13312xi32, #tpu.memory_space<vmem>>, vector<16xi32>,
      %get3A_339 = vector.shape_cast %get3A_338 : vector<16xi32> to vector<16xi32>
      %add3A_340 = arith.addi %get3A_336, %get3A_339 : vector<16xi32>
      %swap3A_341 = arith.index_cast %scan3A_42 : i32 to index
      %swap3A_342 = arith.constant 288 : index
      %swap3A_343 = tpu.vector_load %arg8[%swap3A_341, %swap3A_342] {strides = array<i32>} : memref<26x512xi32, #tpu.memory_space<vmem>>, vector<1x16xi32>,
      %swap3A_344 = vector.shape_cast %swap3A_343 : vector<1x16xi32> to vector<16xi32>
      %swap3A_345 = vector.shape_cast %add3A_340 : vector<16xi32> to vector<1x16xi32>
      tpu.vector_store %arg8[%swap3A_341, %swap3A_342], %swap3A_345 {strides = array<i32>} : memref<26x512xi32, #tpu.memory_space<vmem>>, vector<1x16xi32>,
      %mul3A_346 = arith.constant 512 : i32
      %mul3A_347 = arith.muli %scan3A_42, %mul3A_346 : i32
      %add3A_348 = arith.constant 304 : i32
      %add3A_349 = arith.addi %mul3A_347, %add3A_348 : i32
      %get3A_350 = arith.index_cast %add3A_349 : i32 to index
      %get3A_351 = tpu.vector_load %arg6[%get3A_350] {strides = array<i32>} : memref<13312xi32, #tpu.memory_space<vmem>>, vector<16xi32>,
      %get3A_352 = vector.shape_cast %get3A_351 : vector<16xi32> to vector<16xi32>
      %get3A_353 = arith.index_cast %add3A_349 : i32 to index
      %get3A_354 = tpu.vector_load %arg7[%get3A_353] {strides = array<i32>} : memref<13312xi32, #tpu.memory_space<vmem>>, vector<16xi32>,
      %get3A_355 = vector.shape_cast %get3A_354 : vector<16xi32> to vector<16xi32>
      %add3A_356 = arith.addi %get3A_352, %get3A_355 : vector<16xi32>
      %swap3A_357 = arith.index_cast %scan3A_42 : i32 to index
      %swap3A_358 = arith.constant 304 : index
      %swap3A_359 = tpu.vector_load %arg8[%swap3A_357, %swap3A_358] {strides = array<i32>} : memref<26x512xi32, #tpu.memory_space<vmem>>, vector<1x16xi32>,
      %swap3A_360 = vector.shape_cast %swap3A_359 : vector<1x16xi32> to vector<16xi32>
      %swap3A_361 = vector.shape_cast %add3A_356 : vector<16xi32> to vector<1x16xi32>
      tpu.vector_store %arg8[%swap3A_357, %swap3A_358], %swap3A_361 {strides = array<i32>} : memref<26x512xi32, #tpu.memory_space<vmem>>, vector<1x16xi32>,
      %mul3A_362 = arith.constant 512 : i32
      %mul3A_363 = arith.muli %scan3A_42, %mul3A_362 : i32
      %add3A_364 = arith.constant 320 : i32
      %add3A_365 = arith.addi %mul3A_363, %add3A_364 : i32
      %get3A_366 = arith.index_cast %add3A_365 : i32 to index
      %get3A_367 = tpu.vector_load %arg6[%get3A_366] {strides = array<i32>} : memref<13312xi32, #tpu.memory_space<vmem>>, vector<16xi32>,
      %get3A_368 = vector.shape_cast %get3A_367 : vector<16xi32> to vector<16xi32>
      %get3A_369 = arith.index_cast %add3A_365 : i32 to index
      %get3A_370 = tpu.vector_load %arg7[%get3A_369] {strides = array<i32>} : memref<13312xi32, #tpu.memory_space<vmem>>, vector<16xi32>,
      %get3A_371 = vector.shape_cast %get3A_370 : vector<16xi32> to vector<16xi32>
      %add3A_372 = arith.addi %get3A_368, %get3A_371 : vector<16xi32>
      %swap3A_373 = arith.index_cast %scan3A_42 : i32 to index
      %swap3A_374 = arith.constant 320 : index
      %swap3A_375 = tpu.vector_load %arg8[%swap3A_373, %swap3A_374] {strides = array<i32>} : memref<26x512xi32, #tpu.memory_space<vmem>>, vector<1x16xi32>,
      %swap3A_376 = vector.shape_cast %swap3A_375 : vector<1x16xi32> to vector<16xi32>
      %swap3A_377 = vector.shape_cast %add3A_372 : vector<16xi32> to vector<1x16xi32>
      tpu.vector_store %arg8[%swap3A_373, %swap3A_374], %swap3A_377 {strides = array<i32>} : memref<26x512xi32, #tpu.memory_space<vmem>>, vector<1x16xi32>,
      %mul3A_378 = arith.constant 512 : i32
      %mul3A_379 = arith.muli %scan3A_42, %mul3A_378 : i32
      %add3A_380 = arith.constant 336 : i32
      %add3A_381 = arith.addi %mul3A_379, %add3A_380 : i32
      %get3A_382 = arith.index_cast %add3A_381 : i32 to index
      %get3A_383 = tpu.vector_load %arg6[%get3A_382] {strides = array<i32>} : memref<13312xi32, #tpu.memory_space<vmem>>, vector<16xi32>,
      %get3A_384 = vector.shape_cast %get3A_383 : vector<16xi32> to vector<16xi32>
      %get3A_385 = arith.index_cast %add3A_381 : i32 to index
      %get3A_386 = tpu.vector_load %arg7[%get3A_385] {strides = array<i32>} : memref<13312xi32, #tpu.memory_space<vmem>>, vector<16xi32>,
      %get3A_387 = vector.shape_cast %get3A_386 : vector<16xi32> to vector<16xi32>
      %add3A_388 = arith.addi %get3A_384, %get3A_387 : vector<16xi32>
      %swap3A_389 = arith.index_cast %scan3A_42 : i32 to index
      %swap3A_390 = arith.constant 336 : index
      %swap3A_391 = tpu.vector_load %arg8[%swap3A_389, %swap3A_390] {strides = array<i32>} : memref<26x512xi32, #tpu.memory_space<vmem>>, vector<1x16xi32>,
      %swap3A_392 = vector.shape_cast %swap3A_391 : vector<1x16xi32> to vector<16xi32>
      %swap3A_393 = vector.shape_cast %add3A_388 : vector<16xi32> to vector<1x16xi32>
      tpu.vector_store %arg8[%swap3A_389, %swap3A_390], %swap3A_393 {strides = array<i32>} : memref<26x512xi32, #tpu.memory_space<vmem>>, vector<1x16xi32>,
      %mul3A_394 = arith.constant 512 : i32
      %mul3A_395 = arith.muli %scan3A_42, %mul3A_394 : i32
      %add3A_396 = arith.constant 352 : i32
      %add3A_397 = arith.addi %mul3A_395, %add3A_396 : i32
      %get3A_398 = arith.index_cast %add3A_397 : i32 to index
      %get3A_399 = tpu.vector_load %arg6[%get3A_398] {strides = array<i32>} : memref<13312xi32, #tpu.memory_space<vmem>>, vector<16xi32>,
      %get3A_400 = vector.shape_cast %get3A_399 : vector<16xi32> to vector<16xi32>
      %get3A_401 = arith.index_cast %add3A_397 : i32 to index
      %get3A_402 = tpu.vector_load %arg7[%get3A_401] {strides = array<i32>} : memref<13312xi32, #tpu.memory_space<vmem>>, vector<16xi32>,
      %get3A_403 = vector.shape_cast %get3A_402 : vector<16xi32> to vector<16xi32>
      %add3A_404 = arith.addi %get3A_400, %get3A_403 : vector<16xi32>
      %swap3A_405 = arith.index_cast %scan3A_42 : i32 to index
      %swap3A_406 = arith.constant 352 : index
      %swap3A_407 = tpu.vector_load %arg8[%swap3A_405, %swap3A_406] {strides = array<i32>} : memref<26x512xi32, #tpu.memory_space<vmem>>, vector<1x16xi32>,
      %swap3A_408 = vector.shape_cast %swap3A_407 : vector<1x16xi32> to vector<16xi32>
      %swap3A_409 = vector.shape_cast %add3A_404 : vector<16xi32> to vector<1x16xi32>
      tpu.vector_store %arg8[%swap3A_405, %swap3A_406], %swap3A_409 {strides = array<i32>} : memref<26x512xi32, #tpu.memory_space<vmem>>, vector<1x16xi32>,
      %mul3A_410 = arith.constant 512 : i32
      %mul3A_411 = arith.muli %scan3A_42, %mul3A_410 : i32
      %add3A_412 = arith.constant 368 : i32
      %add3A_413 = arith.addi %mul3A_411, %add3A_412 : i32
      %get3A_414 = arith.index_cast %add3A_413 : i32 to index
      %get3A_415 = tpu.vector_load %arg6[%get3A_414] {strides = array<i32>} : memref<13312xi32, #tpu.memory_space<vmem>>, vector<16xi32>,
      %get3A_416 = vector.shape_cast %get3A_415 : vector<16xi32> to vector<16xi32>
      %get3A_417 = arith.index_cast %add3A_413 : i32 to index
      %get3A_418 = tpu.vector_load %arg7[%get3A_417] {strides = array<i32>} : memref<13312xi32, #tpu.memory_space<vmem>>, vector<16xi32>,
      %get3A_419 = vector.shape_cast %get3A_418 : vector<16xi32> to vector<16xi32>
      %add3A_420 = arith.addi %get3A_416, %get3A_419 : vector<16xi32>
      %swap3A_421 = arith.index_cast %scan3A_42 : i32 to index
      %swap3A_422 = arith.constant 368 : index
      %swap3A_423 = tpu.vector_load %arg8[%swap3A_421, %swap3A_422] {strides = array<i32>} : memref<26x512xi32, #tpu.memory_space<vmem>>, vector<1x16xi32>,
      %swap3A_424 = vector.shape_cast %swap3A_423 : vector<1x16xi32> to vector<16xi32>
      %swap3A_425 = vector.shape_cast %add3A_420 : vector<16xi32> to vector<1x16xi32>
      tpu.vector_store %arg8[%swap3A_421, %swap3A_422], %swap3A_425 {strides = array<i32>} : memref<26x512xi32, #tpu.memory_space<vmem>>, vector<1x16xi32>,
      %mul3A_426 = arith.constant 512 : i32
      %mul3A_427 = arith.muli %scan3A_42, %mul3A_426 : i32
      %add3A_428 = arith.constant 384 : i32
      %add3A_429 = arith.addi %mul3A_427, %add3A_428 : i32
      %get3A_430 = arith.index_cast %add3A_429 : i32 to index
      %get3A_431 = tpu.vector_load %arg6[%get3A_430] {strides = array<i32>} : memref<13312xi32, #tpu.memory_space<vmem>>, vector<16xi32>,
      %get3A_432 = vector.shape_cast %get3A_431 : vector<16xi32> to vector<16xi32>
      %get3A_433 = arith.index_cast %add3A_429 : i32 to index
      %get3A_434 = tpu.vector_load %arg7[%get3A_433] {strides = array<i32>} : memref<13312xi32, #tpu.memory_space<vmem>>, vector<16xi32>,
      %get3A_435 = vector.shape_cast %get3A_434 : vector<16xi32> to vector<16xi32>
      %add3A_436 = arith.addi %get3A_432, %get3A_435 : vector<16xi32>
      %swap3A_437 = arith.index_cast %scan3A_42 : i32 to index
      %swap3A_438 = arith.constant 384 : index
      %swap3A_439 = tpu.vector_load %arg8[%swap3A_437, %swap3A_438] {strides = array<i32>} : memref<26x512xi32, #tpu.memory_space<vmem>>, vector<1x16xi32>,
      %swap3A_440 = vector.shape_cast %swap3A_439 : vector<1x16xi32> to vector<16xi32>
      %swap3A_441 = vector.shape_cast %add3A_436 : vector<16xi32> to vector<1x16xi32>
      tpu.vector_store %arg8[%swap3A_437, %swap3A_438], %swap3A_441 {strides = array<i32>} : memref<26x512xi32, #tpu.memory_space<vmem>>, vector<1x16xi32>,
      %mul3A_442 = arith.constant 512 : i32
      %mul3A_443 = arith.muli %scan3A_42, %mul3A_442 : i32
      %add3A_444 = arith.constant 400 : i32
      %add3A_445 = arith.addi %mul3A_443, %add3A_444 : i32
      %get3A_446 = arith.index_cast %add3A_445 : i32 to index
      %get3A_447 = tpu.vector_load %arg6[%get3A_446] {strides = array<i32>} : memref<13312xi32, #tpu.memory_space<vmem>>, vector<16xi32>,
      %get3A_448 = vector.shape_cast %get3A_447 : vector<16xi32> to vector<16xi32>
      %get3A_449 = arith.index_cast %add3A_445 : i32 to index
      %get3A_450 = tpu.vector_load %arg7[%get3A_449] {strides = array<i32>} : memref<13312xi32, #tpu.memory_space<vmem>>, vector<16xi32>,
      %get3A_451 = vector.shape_cast %get3A_450 : vector<16xi32> to vector<16xi32>
      %add3A_452 = arith.addi %get3A_448, %get3A_451 : vector<16xi32>
      %swap3A_453 = arith.index_cast %scan3A_42 : i32 to index
      %swap3A_454 = arith.constant 400 : index
      %swap3A_455 = tpu.vector_load %arg8[%swap3A_453, %swap3A_454] {strides = array<i32>} : memref<26x512xi32, #tpu.memory_space<vmem>>, vector<1x16xi32>,
      %swap3A_456 = vector.shape_cast %swap3A_455 : vector<1x16xi32> to vector<16xi32>
      %swap3A_457 = vector.shape_cast %add3A_452 : vector<16xi32> to vector<1x16xi32>
      tpu.vector_store %arg8[%swap3A_453, %swap3A_454], %swap3A_457 {strides = array<i32>} : memref<26x512xi32, #tpu.memory_space<vmem>>, vector<1x16xi32>,
      %mul3A_458 = arith.constant 512 : i32
      %mul3A_459 = arith.muli %scan3A_42, %mul3A_458 : i32
      %add3A_460 = arith.constant 416 : i32
      %add3A_461 = arith.addi %mul3A_459, %add3A_460 : i32
      %get3A_462 = arith.index_cast %add3A_461 : i32 to index
      %get3A_463 = tpu.vector_load %arg6[%get3A_462] {strides = array<i32>} : memref<13312xi32, #tpu.memory_space<vmem>>, vector<16xi32>,
      %get3A_464 = vector.shape_cast %get3A_463 : vector<16xi32> to vector<16xi32>
      %get3A_465 = arith.index_cast %add3A_461 : i32 to index
      %get3A_466 = tpu.vector_load %arg7[%get3A_465] {strides = array<i32>} : memref<13312xi32, #tpu.memory_space<vmem>>, vector<16xi32>,
      %get3A_467 = vector.shape_cast %get3A_466 : vector<16xi32> to vector<16xi32>
      %add3A_468 = arith.addi %get3A_464, %get3A_467 : vector<16xi32>
      %swap3A_469 = arith.index_cast %scan3A_42 : i32 to index
      %swap3A_470 = arith.constant 416 : index
      %swap3A_471 = tpu.vector_load %arg8[%swap3A_469, %swap3A_470] {strides = array<i32>} : memref<26x512xi32, #tpu.memory_space<vmem>>, vector<1x16xi32>,
      %swap3A_472 = vector.shape_cast %swap3A_471 : vector<1x16xi32> to vector<16xi32>
      %swap3A_473 = vector.shape_cast %add3A_468 : vector<16xi32> to vector<1x16xi32>
      tpu.vector_store %arg8[%swap3A_469, %swap3A_470], %swap3A_473 {strides = array<i32>} : memref<26x512xi32, #tpu.memory_space<vmem>>, vector<1x16xi32>,
      %mul3A_474 = arith.constant 512 : i32
      %mul3A_475 = arith.muli %scan3A_42, %mul3A_474 : i32
      %add3A_476 = arith.constant 432 : i32
      %add3A_477 = arith.addi %mul3A_475, %add3A_476 : i32
      %get3A_478 = arith.index_cast %add3A_477 : i32 to index
      %get3A_479 = tpu.vector_load %arg6[%get3A_478] {strides = array<i32>} : memref<13312xi32, #tpu.memory_space<vmem>>, vector<16xi32>,
      %get3A_480 = vector.shape_cast %get3A_479 : vector<16xi32> to vector<16xi32>
      %get3A_481 = arith.index_cast %add3A_477 : i32 to index
      %get3A_482 = tpu.vector_load %arg7[%get3A_481] {strides = array<i32>} : memref<13312xi32, #tpu.memory_space<vmem>>, vector<16xi32>,
      %get3A_483 = vector.shape_cast %get3A_482 : vector<16xi32> to vector<16xi32>
      %add3A_484 = arith.addi %get3A_480, %get3A_483 : vector<16xi32>
      %swap3A_485 = arith.index_cast %scan3A_42 : i32 to index
      %swap3A_486 = arith.constant 432 : index
      %swap3A_487 = tpu.vector_load %arg8[%swap3A_485, %swap3A_486] {strides = array<i32>} : memref<26x512xi32, #tpu.memory_space<vmem>>, vector<1x16xi32>,
      %swap3A_488 = vector.shape_cast %swap3A_487 : vector<1x16xi32> to vector<16xi32>
      %swap3A_489 = vector.shape_cast %add3A_484 : vector<16xi32> to vector<1x16xi32>
      tpu.vector_store %arg8[%swap3A_485, %swap3A_486], %swap3A_489 {strides = array<i32>} : memref<26x512xi32, #tpu.memory_space<vmem>>, vector<1x16xi32>,
      %mul3A_490 = arith.constant 512 : i32
      %mul3A_491 = arith.muli %scan3A_42, %mul3A_490 : i32
      %add3A_492 = arith.constant 448 : i32
      %add3A_493 = arith.addi %mul3A_491, %add3A_492 : i32
      %get3A_494 = arith.index_cast %add3A_493 : i32 to index
      %get3A_495 = tpu.vector_load %arg6[%get3A_494] {strides = array<i32>} : memref<13312xi32, #tpu.memory_space<vmem>>, vector<16xi32>,
      %get3A_496 = vector.shape_cast %get3A_495 : vector<16xi32> to vector<16xi32>
      %get3A_497 = arith.index_cast %add3A_493 : i32 to index
      %get3A_498 = tpu.vector_load %arg7[%get3A_497] {strides = array<i32>} : memref<13312xi32, #tpu.memory_space<vmem>>, vector<16xi32>,
      %get3A_499 = vector.shape_cast %get3A_498 : vector<16xi32> to vector<16xi32>
      %add3A_500 = arith.addi %get3A_496, %get3A_499 : vector<16xi32>
      %swap3A_501 = arith.index_cast %scan3A_42 : i32 to index
      %swap3A_502 = arith.constant 448 : index
      %swap3A_503 = tpu.vector_load %arg8[%swap3A_501, %swap3A_502] {strides = array<i32>} : memref<26x512xi32, #tpu.memory_space<vmem>>, vector<1x16xi32>,
      %swap3A_504 = vector.shape_cast %swap3A_503 : vector<1x16xi32> to vector<16xi32>
      %swap3A_505 = vector.shape_cast %add3A_500 : vector<16xi32> to vector<1x16xi32>
      tpu.vector_store %arg8[%swap3A_501, %swap3A_502], %swap3A_505 {strides = array<i32>} : memref<26x512xi32, #tpu.memory_space<vmem>>, vector<1x16xi32>,
      %mul3A_506 = arith.constant 512 : i32
      %mul3A_507 = arith.muli %scan3A_42, %mul3A_506 : i32
      %add3A_508 = arith.constant 464 : i32
      %add3A_509 = arith.addi %mul3A_507, %add3A_508 : i32
      %get3A_510 = arith.index_cast %add3A_509 : i32 to index
      %get3A_511 = tpu.vector_load %arg6[%get3A_510] {strides = array<i32>} : memref<13312xi32, #tpu.memory_space<vmem>>, vector<16xi32>,
      %get3A_512 = vector.shape_cast %get3A_511 : vector<16xi32> to vector<16xi32>
      %get3A_513 = arith.index_cast %add3A_509 : i32 to index
      %get3A_514 = tpu.vector_load %arg7[%get3A_513] {strides = array<i32>} : memref<13312xi32, #tpu.memory_space<vmem>>, vector<16xi32>,
      %get3A_515 = vector.shape_cast %get3A_514 : vector<16xi32> to vector<16xi32>
      %add3A_516 = arith.addi %get3A_512, %get3A_515 : vector<16xi32>
      %swap3A_517 = arith.index_cast %scan3A_42 : i32 to index
      %swap3A_518 = arith.constant 464 : index
      %swap3A_519 = tpu.vector_load %arg8[%swap3A_517, %swap3A_518] {strides = array<i32>} : memref<26x512xi32, #tpu.memory_space<vmem>>, vector<1x16xi32>,
      %swap3A_520 = vector.shape_cast %swap3A_519 : vector<1x16xi32> to vector<16xi32>
      %swap3A_521 = vector.shape_cast %add3A_516 : vector<16xi32> to vector<1x16xi32>
      tpu.vector_store %arg8[%swap3A_517, %swap3A_518], %swap3A_521 {strides = array<i32>} : memref<26x512xi32, #tpu.memory_space<vmem>>, vector<1x16xi32>,
      %mul3A_522 = arith.constant 512 : i32
      %mul3A_523 = arith.muli %scan3A_42, %mul3A_522 : i32
      %add3A_524 = arith.constant 480 : i32
      %add3A_525 = arith.addi %mul3A_523, %add3A_524 : i32
      %get3A_526 = arith.index_cast %add3A_525 : i32 to index
      %get3A_527 = tpu.vector_load %arg6[%get3A_526] {strides = array<i32>} : memref<13312xi32, #tpu.memory_space<vmem>>, vector<16xi32>,
      %get3A_528 = vector.shape_cast %get3A_527 : vector<16xi32> to vector<16xi32>
      %get3A_529 = arith.index_cast %add3A_525 : i32 to index
      %get3A_530 = tpu.vector_load %arg7[%get3A_529] {strides = array<i32>} : memref<13312xi32, #tpu.memory_space<vmem>>, vector<16xi32>,
      %get3A_531 = vector.shape_cast %get3A_530 : vector<16xi32> to vector<16xi32>
      %add3A_532 = arith.addi %get3A_528, %get3A_531 : vector<16xi32>
      %swap3A_533 = arith.index_cast %scan3A_42 : i32 to index
      %swap3A_534 = arith.constant 480 : index
      %swap3A_535 = tpu.vector_load %arg8[%swap3A_533, %swap3A_534] {strides = array<i32>} : memref<26x512xi32, #tpu.memory_space<vmem>>, vector<1x16xi32>,
      %swap3A_536 = vector.shape_cast %swap3A_535 : vector<1x16xi32> to vector<16xi32>
      %swap3A_537 = vector.shape_cast %add3A_532 : vector<16xi32> to vector<1x16xi32>
      tpu.vector_store %arg8[%swap3A_533, %swap3A_534], %swap3A_537 {strides = array<i32>} : memref<26x512xi32, #tpu.memory_space<vmem>>, vector<1x16xi32>,
      %mul3A_538 = arith.constant 512 : i32
      %mul3A_539 = arith.muli %scan3A_42, %mul3A_538 : i32
      %add3A_540 = arith.constant 496 : i32
      %add3A_541 = arith.addi %mul3A_539, %add3A_540 : i32
      %get3A_542 = arith.index_cast %add3A_541 : i32 to index
      %get3A_543 = tpu.vector_load %arg6[%get3A_542] {strides = array<i32>} : memref<13312xi32, #tpu.memory_space<vmem>>, vector<16xi32>,
      %get3A_544 = vector.shape_cast %get3A_543 : vector<16xi32> to vector<16xi32>
      %get3A_545 = arith.index_cast %add3A_541 : i32 to index
      %get3A_546 = tpu.vector_load %arg7[%get3A_545] {strides = array<i32>} : memref<13312xi32, #tpu.memory_space<vmem>>, vector<16xi32>,
      %get3A_547 = vector.shape_cast %get3A_546 : vector<16xi32> to vector<16xi32>
      %add3A_548 = arith.addi %get3A_544, %get3A_547 : vector<16xi32>
      %swap3A_549 = arith.index_cast %scan3A_42 : i32 to index
      %swap3A_550 = arith.constant 496 : index
      %swap3A_551 = tpu.vector_load %arg8[%swap3A_549, %swap3A_550] {strides = array<i32>} : memref<26x512xi32, #tpu.memory_space<vmem>>, vector<1x16xi32>,
      %swap3A_552 = vector.shape_cast %swap3A_551 : vector<1x16xi32> to vector<16xi32>
      %swap3A_553 = vector.shape_cast %add3A_548 : vector<16xi32> to vector<1x16xi32>
      tpu.vector_store %arg8[%swap3A_549, %swap3A_550], %swap3A_553 {strides = array<i32>} : memref<26x512xi32, #tpu.memory_space<vmem>>, vector<1x16xi32>,
      %scan3A_554 = arith.constant 0 : i32
      scf.yield %scan3A_554 : i32
    }
    %scan3A_10 = arith.constant 26 : i32
    %barrier3A = arith.constant 0 : index
    tpu.barrier barrier_id(%barrier3A)
    %dma_start3A = arith.constant 0 : i32
    %dma_start3A_11 = arith.constant 0 : i32
    %dma_start3A_12 = tpu.memref_slice %arg8[%dma_start3A, %dma_start3A_11] : memref<26x512xi32, #tpu.memory_space<vmem>> -> memref<1x512xi32, #tpu.memory_space<vmem>>
    %dma_start3A_13 = tpu.memref_squeeze %dma_start3A_12 : memref<1x512xi32, #tpu.memory_space<vmem>> -> memref<512xi32, #tpu.memory_space<vmem>>
    %dma_start3A_14 = arith.constant 0 : i32
    %dma_start3A_15 = arith.constant 0 : i32
    %dma_start3A_16 = tpu.memref_slice %arg11[%dma_start3A_14, %dma_start3A_15] : memref<2600x64xf32, #tpu.memory_space<vmem_shared>> -> memref<2600x64xf32, #tpu.memory_space<vmem_shared>>
    tpu.enqueue_indirect_dma source(%dma_start3A_16 : memref<2600x64xf32, #tpu.memory_space<vmem_shared>>) target(%arg9 : memref<512x64xf32, #tpu.memory_space<vmem>>) offsets(%dma_start3A_13 : memref<512xi32, #tpu.memory_space<vmem>>) semaphore(%arg12 : memref<!tpu.dma_semaphore, #tpu.memory_space<semaphore_mem>>)
    %dma_start3A_17 = arith.constant 1 : i32
    %dma_start3A_18 = arith.constant 0 : i32
    %dma_start3A_19 = tpu.memref_slice %arg8[%dma_start3A_17, %dma_start3A_18] : memref<26x512xi32, #tpu.memory_space<vmem>> -> memref<1x512xi32, #tpu.memory_space<vmem>>
    %dma_start3A_20 = tpu.memref_squeeze %dma_start3A_19 : memref<1x512xi32, #tpu.memory_space<vmem>> -> memref<512xi32, #tpu.memory_space<vmem>>
    %dma_start3A_21 = arith.constant 0 : i32
    %dma_start3A_22 = arith.constant 0 : i32
    %dma_start3A_23 = tpu.memref_slice %arg11[%dma_start3A_21, %dma_start3A_22] : memref<2600x64xf32, #tpu.memory_space<vmem_shared>> -> memref<2600x64xf32, #tpu.memory_space<vmem_shared>>
    tpu.enqueue_indirect_dma source(%dma_start3A_23 : memref<2600x64xf32, #tpu.memory_space<vmem_shared>>) target(%arg10 : memref<512x64xf32, #tpu.memory_space<vmem>>) offsets(%dma_start3A_20 : memref<512xi32, #tpu.memory_space<vmem>>) semaphore(%arg13 : memref<!tpu.dma_semaphore, #tpu.memory_space<semaphore_mem>>)
    %scan3A_24 = arith.constant 0 : i32
    %scan3A_25 = arith.constant 0 : i32
    %scan3A_26 = arith.constant 13 : i32
    %scan3A_27 = arith.addi %scan3A_25, %scan3A_26 : i32
    %scan3A_28 = arith.constant 1 : i32
    %scan3A_29 = scf.for %scan3A_42 = %scan3A_25 to %scan3A_27 step %scan3A_28 iter_args(%scan3A_43 = %scan3A_24) -> (i32)  : i32 {
      %mul3A_44 = arith.constant 2 : i32
      %mul3A_45 = arith.muli %scan3A_42, %mul3A_44 : i32
      %add3A_46 = arith.constant 0 : i32
      %add3A_47 = arith.addi %mul3A_45, %add3A_46 : i32
      %dma_wait3A_48 = arith.constant 0 : i32
      %dma_wait3A_49 = tpu.memref_slice %arg8[%add3A_47, %dma_wait3A_48] : memref<26x512xi32, #tpu.memory_space<vmem>> -> memref<1x512xi32, #tpu.memory_space<vmem>>
      %dma_wait3A_50 = tpu.memref_squeeze %dma_wait3A_49 : memref<1x512xi32, #tpu.memory_space<vmem>> -> memref<512xi32, #tpu.memory_space<vmem>>
      %dma_wait3A_51 = arith.constant 0 : i32
      %dma_wait3A_52 = arith.constant 0 : i32
      %dma_wait3A_53 = tpu.memref_slice %arg11[%dma_wait3A_51, %dma_wait3A_52] : memref<2600x64xf32, #tpu.memory_space<vmem_shared>> -> memref<2600x64xf32, #tpu.memory_space<vmem_shared>>
      tpu.wait_indirect_dma semaphore(%arg12 : memref<!tpu.dma_semaphore, #tpu.memory_space<semaphore_mem>>) src(%dma_wait3A_53 : memref<2600x64xf32, #tpu.memory_space<vmem_shared>>) dst(%arg9 : memref<512x64xf32, #tpu.memory_space<vmem>>)
      %mul3A_54 = arith.constant 512 : i32
      %mul3A_55 = arith.muli %add3A_47, %mul3A_54 : i32
      %add3A_56 = arith.addi %mul3A_2, %mul3A_55 : i32
      %dma_start3A_57 = arith.constant 0 : i32
      %dma_start3A_58 = tpu.memref_slice %arg5[%add3A_56, %dma_start3A_57] : memref<425984x64xf32, #tpu.memory_space<hbm>> -> memref<512x64xf32, #tpu.memory_space<hbm>>
      %dma_start3A_59 = arith.constant 0 : i32
      %dma_start3A_60 = tpu.memref_slice %arg5[%add3A_56, %dma_start3A_59] : memref<425984x64xf32, #tpu.memory_space<hbm>> -> memref<512x64xf32, #tpu.memory_space<hbm>>
      tpu.enqueue_dma source(%arg9 : memref<512x64xf32, #tpu.memory_space<vmem>>) target(%dma_start3A_60 : memref<512x64xf32, #tpu.memory_space<hbm>>) target_semaphore(%arg14 : memref<!tpu.dma_semaphore, #tpu.memory_space<semaphore_mem>>)
      %lt3A = arith.constant 12 : i32
      %lt3A_61 = arith.cmpi slt, %scan3A_42, %lt3A : i32
      %convert_element_type3A_62 = arith.extui %lt3A_61 : i1 to i32
      %cond3A_63 = arith.constant 0 : i32
      %cond3A_64 = arith.cmpi ne, %convert_element_type3A_62, %cond3A_63 : i32
      scf.if %cond3A_64 {
        %mul3A_88 = arith.constant 512 : i32
        %mul3A_89 = arith.muli %add3A_47, %mul3A_88 : i32
        %add3A_90 = arith.addi %mul3A_2, %mul3A_89 : i32
        %dma_wait3A_91 = arith.constant 0 : i32
        %dma_wait3A_92 = tpu.memref_slice %arg5[%add3A_90, %dma_wait3A_91] : memref<425984x64xf32, #tpu.memory_space<hbm>> -> memref<512x64xf32, #tpu.memory_space<hbm>>
        %dma_wait3A_93 = arith.constant 0 : i32
        %dma_wait3A_94 = tpu.memref_slice %arg5[%add3A_90, %dma_wait3A_93] : memref<425984x64xf32, #tpu.memory_space<hbm>> -> memref<512x64xf32, #tpu.memory_space<hbm>>
        tpu.wait_dma2 semaphore(%arg14 : memref<!tpu.dma_semaphore, #tpu.memory_space<semaphore_mem>>) src(%arg9 : memref<512x64xf32, #tpu.memory_space<vmem>>) dst(%dma_wait3A_94 : memref<512x64xf32, #tpu.memory_space<hbm>>)
        %add3A_95 = arith.constant 2 : i32
        %add3A_96 = arith.addi %add3A_47, %add3A_95 : i32
        %dma_start3A_97 = arith.constant 0 : i32
        %dma_start3A_98 = tpu.memref_slice %arg8[%add3A_96, %dma_start3A_97] : memref<26x512xi32, #tpu.memory_space<vmem>> -> memref<1x512xi32, #tpu.memory_space<vmem>>
        %dma_start3A_99 = tpu.memref_squeeze %dma_start3A_98 : memref<1x512xi32, #tpu.memory_space<vmem>> -> memref<512xi32, #tpu.memory_space<vmem>>
        %dma_start3A_100 = arith.constant 0 : i32
        %dma_start3A_101 = arith.constant 0 : i32
        %dma_start3A_102 = tpu.memref_slice %arg11[%dma_start3A_100, %dma_start3A_101] : memref<2600x64xf32, #tpu.memory_space<vmem_shared>> -> memref<2600x64xf32, #tpu.memory_space<vmem_shared>>
        tpu.enqueue_indirect_dma source(%dma_start3A_102 : memref<2600x64xf32, #tpu.memory_space<vmem_shared>>) target(%arg9 : memref<512x64xf32, #tpu.memory_space<vmem>>) offsets(%dma_start3A_99 : memref<512xi32, #tpu.memory_space<vmem>>) semaphore(%arg12 : memref<!tpu.dma_semaphore, #tpu.memory_space<semaphore_mem>>)
      } else {
      }
      %mul3A_65 = arith.constant 2 : i32
      %mul3A_66 = arith.muli %scan3A_42, %mul3A_65 : i32
      %add3A_67 = arith.constant 1 : i32
      %add3A_68 = arith.addi %mul3A_66, %add3A_67 : i32
      %dma_wait3A_69 = arith.constant 0 : i32
      %dma_wait3A_70 = tpu.memref_slice %arg8[%add3A_68, %dma_wait3A_69] : memref<26x512xi32, #tpu.memory_space<vmem>> -> memref<1x512xi32, #tpu.memory_space<vmem>>
      %dma_wait3A_71 = tpu.memref_squeeze %dma_wait3A_70 : memref<1x512xi32, #tpu.memory_space<vmem>> -> memref<512xi32, #tpu.memory_space<vmem>>
      %dma_wait3A_72 = arith.constant 0 : i32
      %dma_wait3A_73 = arith.constant 0 : i32
      %dma_wait3A_74 = tpu.memref_slice %arg11[%dma_wait3A_72, %dma_wait3A_73] : memref<2600x64xf32, #tpu.memory_space<vmem_shared>> -> memref<2600x64xf32, #tpu.memory_space<vmem_shared>>
      tpu.wait_indirect_dma semaphore(%arg13 : memref<!tpu.dma_semaphore, #tpu.memory_space<semaphore_mem>>) src(%dma_wait3A_74 : memref<2600x64xf32, #tpu.memory_space<vmem_shared>>) dst(%arg10 : memref<512x64xf32, #tpu.memory_space<vmem>>)
      %mul3A_75 = arith.constant 512 : i32
      %mul3A_76 = arith.muli %add3A_68, %mul3A_75 : i32
      %add3A_77 = arith.addi %mul3A_2, %mul3A_76 : i32
      %dma_start3A_78 = arith.constant 0 : i32
      %dma_start3A_79 = tpu.memref_slice %arg5[%add3A_77, %dma_start3A_78] : memref<425984x64xf32, #tpu.memory_space<hbm>> -> memref<512x64xf32, #tpu.memory_space<hbm>>
      %dma_start3A_80 = arith.constant 0 : i32
      %dma_start3A_81 = tpu.memref_slice %arg5[%add3A_77, %dma_start3A_80] : memref<425984x64xf32, #tpu.memory_space<hbm>> -> memref<512x64xf32, #tpu.memory_space<hbm>>
      tpu.enqueue_dma source(%arg10 : memref<512x64xf32, #tpu.memory_space<vmem>>) target(%dma_start3A_81 : memref<512x64xf32, #tpu.memory_space<hbm>>) target_semaphore(%arg15 : memref<!tpu.dma_semaphore, #tpu.memory_space<semaphore_mem>>)
      %lt3A_82 = arith.constant 12 : i32
      %lt3A_83 = arith.cmpi slt, %scan3A_42, %lt3A_82 : i32
      %convert_element_type3A_84 = arith.extui %lt3A_83 : i1 to i32
      %cond3A_85 = arith.constant 0 : i32
      %cond3A_86 = arith.cmpi ne, %convert_element_type3A_84, %cond3A_85 : i32
      scf.if %cond3A_86 {
        %mul3A_88 = arith.constant 512 : i32
        %mul3A_89 = arith.muli %add3A_68, %mul3A_88 : i32
        %add3A_90 = arith.addi %mul3A_2, %mul3A_89 : i32
        %dma_wait3A_91 = arith.constant 0 : i32
        %dma_wait3A_92 = tpu.memref_slice %arg5[%add3A_90, %dma_wait3A_91] : memref<425984x64xf32, #tpu.memory_space<hbm>> -> memref<512x64xf32, #tpu.memory_space<hbm>>
        %dma_wait3A_93 = arith.constant 0 : i32
        %dma_wait3A_94 = tpu.memref_slice %arg5[%add3A_90, %dma_wait3A_93] : memref<425984x64xf32, #tpu.memory_space<hbm>> -> memref<512x64xf32, #tpu.memory_space<hbm>>
        tpu.wait_dma2 semaphore(%arg15 : memref<!tpu.dma_semaphore, #tpu.memory_space<semaphore_mem>>) src(%arg10 : memref<512x64xf32, #tpu.memory_space<vmem>>) dst(%dma_wait3A_94 : memref<512x64xf32, #tpu.memory_space<hbm>>)
        %add3A_95 = arith.constant 2 : i32
        %add3A_96 = arith.addi %add3A_68, %add3A_95 : i32
        %dma_start3A_97 = arith.constant 0 : i32
        %dma_start3A_98 = tpu.memref_slice %arg8[%add3A_96, %dma_start3A_97] : memref<26x512xi32, #tpu.memory_space<vmem>> -> memref<1x512xi32, #tpu.memory_space<vmem>>
        %dma_start3A_99 = tpu.memref_squeeze %dma_start3A_98 : memref<1x512xi32, #tpu.memory_space<vmem>> -> memref<512xi32, #tpu.memory_space<vmem>>
        %dma_start3A_100 = arith.constant 0 : i32
        %dma_start3A_101 = arith.constant 0 : i32
        %dma_start3A_102 = tpu.memref_slice %arg11[%dma_start3A_100, %dma_start3A_101] : memref<2600x64xf32, #tpu.memory_space<vmem_shared>> -> memref<2600x64xf32, #tpu.memory_space<vmem_shared>>
        tpu.enqueue_indirect_dma source(%dma_start3A_102 : memref<2600x64xf32, #tpu.memory_space<vmem_shared>>) target(%arg10 : memref<512x64xf32, #tpu.memory_space<vmem>>) offsets(%dma_start3A_99 : memref<512xi32, #tpu.memory_space<vmem>>) semaphore(%arg13 : memref<!tpu.dma_semaphore, #tpu.memory_space<semaphore_mem>>)
      } else {
      }
      %scan3A_87 = arith.constant 0 : i32
      scf.yield %scan3A_87 : i32
    }
    %scan3A_30 = arith.constant 13 : i32
    %add3A_31 = arith.constant 12288 : i32
    %add3A_32 = arith.addi %mul3A_2, %add3A_31 : i32
    %dma_wait3A = arith.constant 0 : i32
    %dma_wait3A_33 = tpu.memref_slice %arg5[%add3A_32, %dma_wait3A] : memref<425984x64xf32, #tpu.memory_space<hbm>> -> memref<512x64xf32, #tpu.memory_space<hbm>>
    %dma_wait3A_34 = arith.constant 0 : i32
    %dma_wait3A_35 = tpu.memref_slice %arg5[%add3A_32, %dma_wait3A_34] : memref<425984x64xf32, #tpu.memory_space<hbm>> -> memref<512x64xf32, #tpu.memory_space<hbm>>
    tpu.wait_dma2 semaphore(%arg14 : memref<!tpu.dma_semaphore, #tpu.memory_space<semaphore_mem>>) src(%arg9 : memref<512x64xf32, #tpu.memory_space<vmem>>) dst(%dma_wait3A_35 : memref<512x64xf32, #tpu.memory_space<hbm>>)
    %add3A_36 = arith.constant 12800 : i32
    %add3A_37 = arith.addi %mul3A_2, %add3A_36 : i32
    %dma_wait3A_38 = arith.constant 0 : i32
    %dma_wait3A_39 = tpu.memref_slice %arg5[%add3A_37, %dma_wait3A_38] : memref<425984x64xf32, #tpu.memory_space<hbm>> -> memref<512x64xf32, #tpu.memory_space<hbm>>
    %dma_wait3A_40 = arith.constant 0 : i32
    %dma_wait3A_41 = tpu.memref_slice %arg5[%add3A_37, %dma_wait3A_40] : memref<425984x64xf32, #tpu.memory_space<hbm>> -> memref<512x64xf32, #tpu.memory_space<hbm>>
    tpu.wait_dma2 semaphore(%arg15 : memref<!tpu.dma_semaphore, #tpu.memory_space<semaphore_mem>>) src(%arg10 : memref<512x64xf32, #tpu.memory_space<vmem>>) dst(%dma_wait3A_41 : memref<512x64xf32, #tpu.memory_space<hbm>>)
    return
  }
}

</mosaic_0001>

<sc_bundles>
// kernel: kernel.3.cloned.1.call-start
scs
__scs_entry_jumppad:
0x0: {  	(pc) =	sbr.rel $0x88, $3  }
0x1: {  	(tag) =	ssettag $0x0;
	lr =	simm.s32 $0x1  }
0x2: {  	[smem:$0x3F9F] =	sst lr;
	_ =	strace $0xD0000000  }
0x3: {  	_ = 	snop  }
0x4: {  	_ = 	snop  }
0x5: {  	_ = 	snop  }
0x6: {  	_ = 	snop  }
0x7: {  	_ = 	snop  }
__scs_overlays_trampoline_lowered:
0x8: {  	[smem:$0x3FAE] =	sst s0  }
0x9: {  	[smem:$0x3FAF] =	sst s1  }
0xa: {  	[smem:$0x3FB0] =	sst s2  }
0xb: {  	[smem:$0x3FB1] =	sst s3  }
0xc: {  	[smem:$0x3FB2] =	sst s4  }
0xd: {  	[smem:$0x3FB3] =	sst s5  }
0xe: {  	[smem:$0x3FB4] =	sst s6  }
0xf: {  	[smem:$0x3FB5] =	sst s7  }
0x10: {  	[smem:$0x3FB6] =	sst s8  }
0x11: {  	[smem:$0x3FB7] =	sst s9;
	s0 =	simm.s32 @!p0 $0x0  }
0x12: {  	s1 =	sld [smem:$0x3F9D];
	s0 =	simm.s32 @p0 $0x1  }
0x13: {  	[smem:$0x3FB8] =	sst s0;
	s0 =	simm.s32 @!p1 $0x0  }
0x14: {  	s2 =	sld [smem:$0x3F9C];
	s0 =	simm.s32 @p1 $0x1  }
0x15: {  	[smem:$0x3FB9] =	sst s0;
	s0 =	simm.s32 @!p2 $0x0  }
0x16: {  	s3 =	sld [smem:$0x3FDB];
	s0 =	simm.s32 @p2 $0x1  }
0x17: {  	s4 =	simm.s32 $0x1BF5;
	[smem:$0x3FBB] =	sst s0  }
0x18: {  	s0 =	sld [smem:$0x3F9E];
	_ =	swait.ge [sflag:s4], $0x0  }
0x19: {  	s7 =	sld [smem:$0x3F9F]  }
0x1a: {  	s8 =	sadd.s32 $0xFFFFE003, lr  }
0x1b: {  	s9 =	sadd.s32 $0xFFFFFEF7, lr;
	s5 =	simm.s32 $0xFFFFFFFF;
	p2 =	slt.u32 s8, $0xFFFFF086  }
0x1c: {  	p1 =	slt.u32 s9, $0xF7A;
	s5 =	simm.s32 @!p2 $0x0  }
0x1d: {  	s5 =	simm.s32 @p1 $0x1;
	p0 =	seq.s32 s7, s2  }
0x1e: {  	s7 =	smul.u32 @!p0 $0xF7A, s2;
	p2 =	seq.s32 @!p0 s5, $0x0  }
0x1f: {  	s9 =	smul.u32 $0xF7A, s1;
	s8 =	simm.s32 @!p0 $0x1BF5;
	p2 =	por !p2, p0  }
0x20: {  	[sflag:s8] =	ssyncset.s32 @!p0 $0xFFFFF086;
	s6 =	sadd.s32 @!p0 s3, s7;
	s7 =	simm.s32 @!p0 $0x108  }
0x21: {  	s3 =	sadd.s32 s3, s9;
	s6 =	sadd.s32 @!p0 $0x88, s6;
	s7 =	simm.s32 @p2 $0x1082  }
0x22: {  	[simem:s7], [sflag:s8] =	dma.local @!p0 [hbm:s6], $0xF7A  }
0x23: {  	s9 =	sor.u32 $0xD0000000, s2;
	s6 =	simm.s32 $0x108;
	_ =	swait.ge @!p0 [sflag:s8], $0x0  }
0x24: {  	s3 =	sadd.s32 $0x88, s3;
	s6 =	simm.s32 @!p1 $0x1082;
	[sflag:s4] =	ssyncset.s32 $0xFFFFF086  }
0x25: {  	[simem:s6], [sflag:s4] =	dma.local [hbm:s3], $0xF7A  }
0x26: {  	[smem:$0x3F9F] =	sst s1;
	(tag) =	ssettag s2;
	_ =	strace s9  }
0x27: {  	s1 =	sld [smem:$0x3FAF]  }
0x28: {  	s2 =	sld [smem:$0x3FB0]  }
0x29: {  	s4 =	sld [smem:$0x3FB2]  }
0x2a: {  	p0 =	seq.s32 s5, $0x0;
	s5 =	sld [smem:$0x3FB3]  }
0x2b: {  	s6 =	sld [smem:$0x3FB4]  }
0x2c: {  	s7 =	sld [smem:$0x3FB5]  }
0x2d: {  	s3 =	simm.s32 $0x108;
	s8 =	sld [smem:$0x3FB6]  }
0x2e: {  	s3 =	simm.s32 @!p0 $0x1082;
	s9 =	sld [smem:$0x3FB7]  }
0x2f: {  	lr =	sadd.s32 s0, s3;
	s0 =	sld [smem:$0x3FAE]  }
0x30: {  	s3 =	sld [smem:$0x3FB1]  }
0x31: {  	[smem:$0x3FBA] =	sst s10  }
0x32: {  	s10 =	sld [smem:$0x3FB8];
	_ =	sdelay $0x3  }
0x33: {  	p0 =	seq.s32 s10, $0x1;
	s10 =	sld [smem:$0x3FBA];
	_ =	sdelay $0x3  }
0x34: {  	[smem:$0x3FBA] =	sst s10  }
0x35: {  	s10 =	sld [smem:$0x3FB9];
	_ =	sdelay $0x3  }
0x36: {  	p1 =	seq.s32 s10, $0x1;
	s10 =	sld [smem:$0x3FBA];
	_ =	sdelay $0x3  }
0x37: {  	[smem:$0x3FBA] =	sst s10  }
0x38: {  	s10 =	sld [smem:$0x3FBB]  }
0x39: {  	_ = 	snop;
	(pc) =	sbr.ind lr, $3  }
0x3a: {  	_ = 	snop  }
0x3b: {  	_ = 	snop  }
0x3c: {  	p2 =	seq.s32 s10, $0x1;
	s10 =	sld [smem:$0x3FBA]  }
0x3d: {  	_ =	shalt  }
0x3e: {  	_ =	shalt  }
0x3f: {  	_ =	shalt  }
0x40: {  	_ =	shalt  }
0x41: {  	_ =	shalt  }
0x42: {  	_ =	shalt  }
0x43: {  	_ =	shalt  }
0x44: {  	_ =	shalt  }
0x45: {  	_ =	shalt  }
0x46: {  	_ =	shalt  }
0x47: {  	_ =	shalt  }
0x48: {  	_ =	shalt  }
0x49: {  	_ =	shalt  }
0x4a: {  	_ =	shalt  }
0x4b: {  	_ =	shalt  }
0x4c: {  	_ =	shalt  }
0x4d: {  	_ =	shalt  }
0x4e: {  	_ =	shalt  }
0x4f: {  	_ =	shalt  }
0x50: {  	_ =	shalt  }
0x51: {  	_ =	shalt  }
0x52: {  	_ =	shalt  }
0x53: {  	_ =	shalt  }
0x54: {  	_ =	shalt  }
0x55: {  	_ =	shalt  }
0x56: {  	_ =	shalt  }
0x57: {  	_ =	shalt  }
0x58: {  	_ =	shalt  }
0x59: {  	_ =	shalt  }
0x5a: {  	_ =	shalt  }
0x5b: {  	_ =	shalt  }
0x5c: {  	_ =	shalt  }
0x5d: {  	_ =	shalt  }
0x5e: {  	_ =	shalt  }
0x5f: {  	_ =	shalt  }
0x60: {  	_ =	shalt  }
0x61: {  	_ =	shalt  }
0x62: {  	_ =	shalt  }
0x63: {  	_ =	shalt  }
0x64: {  	_ =	shalt  }
0x65: {  	_ =	shalt  }
0x66: {  	_ =	shalt  }
0x67: {  	_ =	shalt  }
0x68: {  	_ =	shalt  }
0x69: {  	_ =	shalt  }
0x6a: {  	_ =	shalt  }
0x6b: {  	_ =	shalt  }
0x6c: {  	_ =	shalt  }
0x6d: {  	_ =	shalt  }
0x6e: {  	_ =	shalt  }
0x6f: {  	_ =	shalt  }
0x70: {  	_ =	shalt  }
0x71: {  	_ =	shalt  }
0x72: {  	_ =	shalt  }
0x73: {  	_ =	shalt  }
0x74: {  	_ =	shalt  }
0x75: {  	_ =	shalt  }
0x76: {  	_ =	shalt  }
0x77: {  	_ =	shalt  }
0x78: {  	_ =	shalt  }
0x79: {  	_ =	shalt  }
0x7a: {  	_ =	shalt  }
0x7b: {  	_ =	shalt  }
0x7c: {  	_ =	shalt  }
0x7d: {  	_ =	shalt  }
0x7e: {  	_ =	shalt  }
0x7f: {  	_ =	shalt  }
0x80: {  	_ =	shalt  }
0x81: {  	_ =	shalt  }
0x82: {  	_ =	shalt  }
0x83: {  	_ =	shalt  }
0x84: {  	_ =	shalt  }
0x85: {  	_ =	shalt  }
0x86: {  	_ =	shalt  }
0x87: {  	_ =	shalt  }
.Lfunc_end0:
.L_simem_size_0:
called_computation.1_lowered:
.L_overlay_start_0:
0x88: {  	s2 =	sld [smem:$0x3FD9]  }
0x89: {  	s3 =	sld [smem:$0x3FFE];
	_ =	sdelay $0x1  }
0x8a: {  	s1 =	srdreg.scid  }
0x8b: {  	s0 =	sand.u32 $0x1, s1  }
0x8c: {  	s17 =	sshll.u32 s0, $0xA;
	s2 =	sadd.s32 s3, s2  }
0x8d: {  	s2 =	sadd.s32 s2, s17  }
0x8e: {  	[smem:$0x3FC6] =	sst s2  }
0x8f: {  	_ = 	snop  }
0x90: {  	s2 =	sld [smem:$0x3FD0];
	(tm) =	ssettm $0x1  }
0x91: {  	s18 =	sld [smem:$0x3FFB];
	_ =	sdelay $0x3  }
0x92: {  	_ =	strace s18  }
0x93: {  	s3 =	sld [smem:$0x3FFC];
	_ =	sdelay $0x3  }
0x94: {  	_ =	strace s3  }
0x95: {  	s3 =	sld [smem:$0x3FFD];
	_ =	sdelay $0x3  }
0x96: {  	_ =	strace s3  }
0x97: {  	_ =	strace $0x8FFFFFFF  }
0x98: {  	s19 =	sld [smem:$0x3FDB];
	_ =	sdelay $0x1  }
0x99: {  	s4 =	simm.s32 $_scs_section_size  }
0x9a: {  	s5 =	simm.s32 $_size__tile_overlayer_lowered;
	s6 =	simm.s32 $_tile_overlayer_lowered  }
0x9b: {  	s22 =	simm.s32 $0x1BFF;
	s21 =	sshll.u32 s6, $0x1;
	s3 =	sadd.s32 s4, s19  }
0x9c: {  	s7 =	simm.s32 $0x0;
	s20 =	sshll.u32 s5, $0x1;
	s5 =	sadd.s32 s21, s3  }
0x9d: {  	[timem:s7], [sflag:s22] =	dma.local [hbm:s5], s20  }
0x9e: {  	_ =	swait.ge [sflag:s22], s20  }
0x9f: {  	s4 =	ssub.s32 $0x0, s20;
	[sflag:s22] =	ssyncset.done $0x0  }
0xa0: {  	[sflag:s22] =	ssyncadd.s32 s4;
	_ =	sdelay $0x1  }
0xa1: {  	s23 =	simm.s32 $0x1B8B  }
0xa2: {  	_ =	swait.ge [sflag:s23], $0x1  }
0xa3: {  	[sflag:s23] =	ssyncset.done $0x0  }
0xa4: {  	s25 =	simm.s32 $0x1B8E;
	s24 =	sld [smem:$0x3FFE];
	[sflag:s23] =	ssyncadd.s32 $0xFFFFFFFF  }
0xa5: {  	s26 =	simm.s32 $execute0_lowered;
	[smem:$0x3FD2] =	sst s25  }
0xa6: {  	s5 =	sshll.u32 s26, $0x1;
	_ =	strace $0x80000046;
	[dreg:$0x1] =	wrdreg $0xFFFFFFFF  }
0xa7: {  	s28 =	simm.s32 $_size_execute0_lowered;
	s3 =	sadd.s32 s3, s5;
	[dreg:$0x0] =	wrdreg $0x0  }
0xa8: {  	s5 =	sshll.u32 s28, $0x1;
	[dreg:$0x2] =	wrdreg s3  }
0xa9: {  	[dreg:$0x3] =	wrdreg s5  }
0xaa: {  	[dreg:$0x4] =	wrdreg $0xC0  }
0xab: {  	_ =	task [dreg:s7], $0x5FFFF  }
0xac: {  	[dreg:$0x1] =	wrdreg $0xFFFFFFFF  }
0xad: {  	[dreg:$0x0] =	wrdreg $0x60  }
0xae: {  	[dreg:$0x2] =	wrdreg s24  }
0xaf: {  	[dreg:$0x3] =	wrdreg s2  }
0xb0: {  	[dreg:$0x4] =	wrdreg $0x19C000  }
0xb1: {  	[dreg:$0x5] =	wrdreg $0x9  }
0xb2: {  	_ =	task.clear_ibuf [dreg:s7], $0x6FFFF;
	_ =	strace $0x90000046  }
0xb3: {  	s29 =	simm.s32 $0x9;
	_ =	strace $0x80000048  }
0xb4: {  	_ =	swait.ge [sflag:s29], $0x1  }
0xb5: {  	[sflag:s29] =	ssyncadd.s32 $0xFFFFFFFF  }
0xb6: {  	_ =	strace $0x90000048  }
0xb7: {  	_ =	sfence  }
0xb8: {  	s30 =	sld [smem:$0x0];
	_ =	sdelay $0x2  }
0xb9: {  	s31 =	sshll.u32 s1, $0xD;
	s1 =	sshrl.u32 s1, $0x2  }
0xba: {  	s3 =	sand.u32 $0x4000, s31;
	s1 =	sadd.s32 s1, s30  }
0xbb: {  	s0 =	sor.u32 s3, s0;
	s1 =	sshll.u32 s1, $0x11  }
0xbc: {  	s0 =	sor.u32 s1, s0  }
0xbd: {  	s0 =	sadd.s32 $0x8F2B, s0  }
0xbe: {  	[sflag:s0] =	ssyncadd.remote.s32 $0x1  }
0xbf: {  	_ =	sfence.sel $0xFFFF  }
0xc0: {  	[dreg:$0x0] =	wrdreg $0xFFFFFFFF;
	(pc) =	sbr.abs _section_cstart, $3  }
0xc1: {  	[dreg:$0x1] =	wrdreg $0xFFFFFFFF  }
0xc2: {  	_ =	task.clear_ibuf [dreg:s7], $0x2FFFF;
	_ =	strace $0x9FFFFFFF  }
0xc3: {  	(tm) =	ssettm $0x7FFFFFFF  }
tec
execute0_lowered:
.L_overlay_start_1:
0x0: {  	(tag) =	ssettag $0x1  }
0x1: {  	s4 =	rddreg [dreg:$0x0]  }
0x2: {  	s10 =	rddreg [dreg:$0x1]  }
0x3: {  	s0 =	srdreg.scid;
	s9 =	stileid.u32  }
0x4: {  	s1 =	rddreg [dreg:$0x2];
	s2 =	simm.s32 $0x0;
	s16 =	simm.s32 $0x9C00  }
0x5: {  	s17 =	simm.s32 $0x6A00;
	s18 =	simm.s32 $0x11C00;
	s19 =	simm.s32 $0x1  }
0x6: {  	s20 =	simm.s32 $0x3;
	s21 =	simm.s32 $0x2;
	s29 =	smul.u32 $0x34000, s9  }
0x7: {  	s22 =	simm.s32 $0x4;
	s8 =	sand.u32 $0x1, s0;
	s14 =	smul.u32 $0x1A0000, s9  }
0x8: {  	s23 =	simm.s32 $0x0;
	s3 =	sshll.u32 s9, $0x1;
	s31 =	smul.u32 $0xD0000, s8  }
0x9: {  	s0 =	rddreg [dreg:$0x3];
	s5 =	sor.u32 s8, s3;
	s15 =	smul.u32 $0x1A000, s8  }
0xa: {  	[smem:$0x7FF] =	sst s2;
	s7 =	ssub.s32 $0x2, s8;
	s3 =	smul.u32 $0x680, s5  }
0xb: {  	p0 =	sne.s32 s9, $0x0;
	s11 =	smul.u32 $0xD0000, s5;
	s12 =	sshrl.u32 s7, $0x1  }
0xc: {  	_ =	strace $0x80000047;
	s13 =	smul.u32 $0x1A000, s5;
	s7 =	ssub.s32 s7, s12  }
0xd: {  	s12 =	sadd.s32 s29, s10;
	s6 =	sadd.s32 s3, s4;
	s3 =	sadd.s32 $0x800, s4  }
0xe: {  	s4 =	sadd.s32 $0x1000, s4;
	s11 =	sshrl.u32 s11, $0x3;
	s13 =	sadd.s32 s13, s10  }
0xf: {  	s12 =	sadd.s32 s15, s12;
	s15 =	simm.s32 $0x6800;
	s5 =	sadd.s32 $0x6200, s6  }
0x10: {  	s6 =	smax.u32 s7, $0x1;
	s30 =	sadd.s32 s10, s11;
	s8 =	sadd.s32 $0x19000, s13  }
0x11: {  	s11 =	sadd.s32 s31, s14;
	s9 =	sadd.s32 $0x1000, s12;
	s12 =	simm.s32 $0x5  }
0x12: {  	s13 =	simm.s32 $0x3400;
	s14 =	simm.s32 $0x200;
	s11 =	sshrl.u32 s11, $0x3  }
0x13: {  	s7 =	sadd.s32 $0x18000, s30;
	s10 =	sadd.s32 s11, s10;
	s11 =	sshrl.u32 @!p0 s1, $0x3  }
.LBB2_1:
0x14: {  	s24 =	simm.s32 @!p0 $0x1C05  }
0x15: {  	[spmem:s11], [sflag:s24] =	dma.local @!p0 [hbm:s4], $0x5140  }
0x16: {  	s24 =	simm.s32 @!p0 $0x5  }
0x17: {  	_ =	swait.ge @!p0 [sflag:s24], $0x5140  }
0x18: {  	[sflag:s24] =	ssyncset.done @!p0 $0x0  }
0x19: {  	[sflag:s24] =	ssyncadd.s32 @!p0 $0xFFFFAEC0  }
0x1a: {  	[tilespmem:s2], [sflag:$0x5] =	stream.linear.gather [hbm4b:s5+s2], $0x3400, $0x38;
	[tilespmem:$0x1C4A0] =	vst v63  }
0x1b: {  	_ =	swait.ge [sflag:s12], $0x3400  }
0x1c: {  	[sflag:s12] =	ssyncset.done $0x0  }
0x1d: {  	[sflag:s12] =	ssyncadd.s32 $0xFFFFCC00  }
0x1e: {  	[tilespmem:s13], [sflag:$0x5] =	stream.linear.gather [hbm4b:s3+s2], $0x3400, $0x38;
	[tilespmem:$0x1C4A0] =	vst v63  }
0x1f: {  	_ =	swait.ge [sflag:s12], $0x3400  }
0x20: {  	[sflag:s12] =	ssyncset.done $0x0  }
0x21: {  	s24 =	simm.s32 $0x0;
	[sflag:s12] =	ssyncadd.s32 $0xFFFFCC00  }
0x22: {  	v0 =	vld [tilespmem:s24+$0x1F0]  }
0x23: {  	v1 =	vld [tilespmem:s24+$0x35F0]  }
0x24: {  	v2 =	vld [tilespmem:s24+$0x0]  }
0x25: {  	v3 =	vld [tilespmem:s24+$0x3400]  }
0x26: {  	v4 =	vld [tilespmem:s24+$0x10]  }
0x27: {  	v5 =	vld [tilespmem:s24+$0x3410]  }
0x28: {  	v6 =	vld [tilespmem:s24+$0x20]  }
0x29: {  	v0 =	vadd.s32 v0, v1;
	v1 =	vld [tilespmem:s24+$0x3420]  }
0x2a: {  	[tilespmem:s24+$0x69F0] =	vst v0;
	v0 =	vadd.s32 v2, v3;
	v2 =	vld [tilespmem:s24+$0x30]  }
0x2b: {  	[tilespmem:s24+$0x6800] =	vst v0;
	v0 =	vld [tilespmem:s24+$0x3430]  }
0x2c: {  	v3 =	vadd.s32 v4, v5;
	v4 =	vld [tilespmem:s24+$0x40]  }
0x2d: {  	[tilespmem:s24+$0x6810] =	vst v3;
	v3 =	vld [tilespmem:s24+$0x3440]  }
0x2e: {  	v5 =	vld [tilespmem:s24+$0x50];
	v1 =	vadd.s32 v6, v1  }
0x2f: {  	[tilespmem:s24+$0x6820] =	vst v1;
	v1 =	vld [tilespmem:s24+$0x3450]  }
0x30: {  	v0 =	vadd.s32 v2, v0;
	v2 =	vld [tilespmem:s24+$0x60]  }
0x31: {  	[tilespmem:s24+$0x6830] =	vst v0;
	v0 =	vld [tilespmem:s24+$0x3460]  }
0x32: {  	v3 =	vadd.s32 v4, v3;
	v4 =	vld [tilespmem:s24+$0x70]  }
0x33: {  	[tilespmem:s24+$0x6840] =	vst v3;
	v3 =	vld [tilespmem:s24+$0x3470]  }
0x34: {  	v1 =	vadd.s32 v5, v1;
	v5 =	vld [tilespmem:s24+$0x80]  }
0x35: {  	[tilespmem:s24+$0x6850] =	vst v1;
	v1 =	vld [tilespmem:s24+$0x3480]  }
0x36: {  	v0 =	vadd.s32 v2, v0;
	v2 =	vld [tilespmem:s24+$0x90]  }
0x37: {  	[tilespmem:s24+$0x6860] =	vst v0;
	v0 =	vld [tilespmem:s24+$0x3490]  }
0x38: {  	v3 =	vadd.s32 v4, v3;
	v4 =	vld [tilespmem:s24+$0xA0]  }
0x39: {  	[tilespmem:s24+$0x6870] =	vst v3;
	v3 =	vld [tilespmem:s24+$0x34A0]  }
0x3a: {  	v1 =	vadd.s32 v5, v1;
	v5 =	vld [tilespmem:s24+$0xB0]  }
0x3b: {  	[tilespmem:s24+$0x6880] =	vst v1;
	v1 =	vld [tilespmem:s24+$0x34B0]  }
0x3c: {  	v0 =	vadd.s32 v2, v0;
	v2 =	vld [tilespmem:s24+$0xC0]  }
0x3d: {  	[tilespmem:s24+$0x6890] =	vst v0;
	v0 =	vld [tilespmem:s24+$0x34C0]  }
0x3e: {  	v3 =	vadd.s32 v4, v3;
	v4 =	vld [tilespmem:s24+$0xD0]  }
0x3f: {  	[tilespmem:s24+$0x68A0] =	vst v3;
	v3 =	vld [tilespmem:s24+$0x34D0]  }
0x40: {  	v1 =	vadd.s32 v5, v1;
	v5 =	vld [tilespmem:s24+$0xE0]  }
0x41: {  	[tilespmem:s24+$0x68B0] =	vst v1;
	v1 =	vld [tilespmem:s24+$0x34E0]  }
0x42: {  	v0 =	vadd.s32 v2, v0;
	v2 =	vld [tilespmem:s24+$0xF0]  }
0x43: {  	[tilespmem:s24+$0x68C0] =	vst v0;
	v0 =	vld [tilespmem:s24+$0x34F0]  }
0x44: {  	v3 =	vadd.s32 v4, v3;
	v4 =	vld [tilespmem:s24+$0x100]  }
0x45: {  	[tilespmem:s24+$0x68D0] =	vst v3;
	v3 =	vld [tilespmem:s24+$0x3500]  }
0x46: {  	v1 =	vadd.s32 v5, v1;
	v5 =	vld [tilespmem:s24+$0x110]  }
0x47: {  	[tilespmem:s24+$0x68E0] =	vst v1;
	v1 =	vld [tilespmem:s24+$0x3510]  }
0x48: {  	v0 =	vadd.s32 v2, v0;
	v2 =	vld [tilespmem:s24+$0x120]  }
0x49: {  	[tilespmem:s24+$0x68F0] =	vst v0;
	v0 =	vld [tilespmem:s24+$0x3520]  }
0x4a: {  	v3 =	vadd.s32 v4, v3;
	v4 =	vld [tilespmem:s24+$0x130]  }
0x4b: {  	[tilespmem:s24+$0x6900] =	vst v3;
	v3 =	vld [tilespmem:s24+$0x3530]  }
0x4c: {  	v1 =	vadd.s32 v5, v1;
	v5 =	vld [tilespmem:s24+$0x140]  }
0x4d: {  	[tilespmem:s24+$0x6910] =	vst v1;
	v1 =	vld [tilespmem:s24+$0x3540]  }
0x4e: {  	v0 =	vadd.s32 v2, v0;
	v2 =	vld [tilespmem:s24+$0x150]  }
0x4f: {  	[tilespmem:s24+$0x6920] =	vst v0;
	v0 =	vld [tilespmem:s24+$0x3550]  }
0x50: {  	v3 =	vadd.s32 v4, v3;
	v4 =	vld [tilespmem:s24+$0x160]  }
0x51: {  	[tilespmem:s24+$0x6930] =	vst v3;
	v3 =	vld [tilespmem:s24+$0x3560]  }
0x52: {  	v1 =	vadd.s32 v5, v1;
	v5 =	vld [tilespmem:s24+$0x170]  }
0x53: {  	[tilespmem:s24+$0x6940] =	vst v1;
	v1 =	vld [tilespmem:s24+$0x3570]  }
0x54: {  	v0 =	vadd.s32 v2, v0;
	v2 =	vld [tilespmem:s24+$0x180]  }
0x55: {  	[tilespmem:s24+$0x6950] =	vst v0;
	v0 =	vld [tilespmem:s24+$0x3580]  }
0x56: {  	v3 =	vadd.s32 v4, v3;
	v4 =	vld [tilespmem:s24+$0x190]  }
0x57: {  	[tilespmem:s24+$0x6960] =	vst v3;
	v3 =	vld [tilespmem:s24+$0x3590]  }
0x58: {  	v1 =	vadd.s32 v5, v1;
	v5 =	vld [tilespmem:s24+$0x1A0]  }
0x59: {  	[tilespmem:s24+$0x6970] =	vst v1;
	v1 =	vld [tilespmem:s24+$0x35A0]  }
0x5a: {  	v0 =	vadd.s32 v2, v0;
	v2 =	vld [tilespmem:s24+$0x1B0]  }
0x5b: {  	[tilespmem:s24+$0x6980] =	vst v0;
	v0 =	vld [tilespmem:s24+$0x35B0]  }
0x5c: {  	v7 =	vld [tilespmem:s24+$0x35C0]  }
0x5d: {  	v6 =	vld [tilespmem:s24+$0x1C0];
	v3 =	vadd.s32 v4, v3  }
0x5e: {  	[tilespmem:s24+$0x6990] =	vst v3;
	v3 =	vadd.s32 v5, v1;
	v1 =	vld [tilespmem:s24+$0x1D0]  }
0x5f: {  	[tilespmem:s24+$0x69A0] =	vst v3;
	v3 =	vld [tilespmem:s24+$0x35D0]  }
0x60: {  	v4 =	vld [tilespmem:s24+$0x35E0];
	v0 =	vadd.s32 v2, v0  }
0x61: {  	s26 =	simm.s32 $0x200;
	v2 =	vld [tilespmem:s24+$0x1E0];
	[tilespmem:s24+$0x69B0] =	vst v0  }
0x62: {  	s25 =	simm.s32 $0x1000;
	v5 =	vadd.s32 v6, v7;
	v0 =	vld [tilespmem:s26+$0x1F0]  }
.LBB2_2:
0x63: {  	p1 =	sne.s32 s25, $0xC800;
	v6 =	vld [tilespmem:s26+$0x35F0];
	[tilespmem:s24+$0x69C0] =	vst v5  }
0x64: {  	v5 =	vld [tilespmem:s26+$0x0];
	v1 =	vadd.s32 v1, v3  }
0x65: {  	v3 =	vld [tilespmem:s26+$0x3400];
	[tilespmem:s24+$0x69D0] =	vst v1  }
0x66: {  	v1 =	vld [tilespmem:s26+$0x10];
	v2 =	vadd.s32 v2, v4  }
0x67: {  	v4 =	vld [tilespmem:s26+$0x3410];
	[tilespmem:s24+$0x69E0] =	vst v2;
	s24 =	smov.u32 s26  }
0x68: {  	v2 =	vld [tilespmem:s24+$0x20];
	v0 =	vadd.s32 v0, v6  }
0x69: {  	v6 =	vld [tilespmem:s24+$0x3420];
	[tilespmem:s24+$0x69F0] =	vst v0  }
0x6a: {  	v0 =	vadd.s32 v5, v3;
	v3 =	vld [tilespmem:s24+$0x30]  }
0x6b: {  	[tilespmem:s24+$0x6800] =	vst v0;
	v0 =	vld [tilespmem:s24+$0x3430]  }
0x6c: {  	v1 =	vadd.s32 v1, v4;
	v4 =	vld [tilespmem:s24+$0x40]  }
0x6d: {  	[tilespmem:s24+$0x6810] =	vst v1;
	v1 =	vld [tilespmem:s24+$0x3440]  }
0x6e: {  	v2 =	vadd.s32 v2, v6;
	v5 =	vld [tilespmem:s24+$0x50]  }
0x6f: {  	[tilespmem:s24+$0x6820] =	vst v2;
	v2 =	vld [tilespmem:s24+$0x3450]  }
0x70: {  	v0 =	vadd.s32 v3, v0;
	v3 =	vld [tilespmem:s24+$0x60]  }
0x71: {  	[tilespmem:s24+$0x6830] =	vst v0;
	v0 =	vld [tilespmem:s24+$0x3460]  }
0x72: {  	v1 =	vadd.s32 v4, v1;
	v4 =	vld [tilespmem:s24+$0x70]  }
0x73: {  	[tilespmem:s24+$0x6840] =	vst v1;
	v1 =	vld [tilespmem:s24+$0x3470]  }
0x74: {  	v2 =	vadd.s32 v5, v2;
	v5 =	vld [tilespmem:s24+$0x80]  }
0x75: {  	[tilespmem:s24+$0x6850] =	vst v2;
	v2 =	vld [tilespmem:s24+$0x3480]  }
0x76: {  	v0 =	vadd.s32 v3, v0;
	v3 =	vld [tilespmem:s24+$0x90]  }
0x77: {  	[tilespmem:s24+$0x6860] =	vst v0;
	v0 =	vld [tilespmem:s24+$0x3490]  }
0x78: {  	v1 =	vadd.s32 v4, v1;
	v4 =	vld [tilespmem:s24+$0xA0]  }
0x79: {  	[tilespmem:s24+$0x6870] =	vst v1;
	v1 =	vld [tilespmem:s24+$0x34A0]  }
0x7a: {  	v2 =	vadd.s32 v5, v2;
	v5 =	vld [tilespmem:s24+$0xB0]  }
0x7b: {  	[tilespmem:s24+$0x6880] =	vst v2;
	v2 =	vld [tilespmem:s24+$0x34B0]  }
0x7c: {  	v0 =	vadd.s32 v3, v0;
	v3 =	vld [tilespmem:s24+$0xC0]  }
0x7d: {  	[tilespmem:s24+$0x6890] =	vst v0;
	v0 =	vld [tilespmem:s24+$0x34C0]  }
0x7e: {  	v1 =	vadd.s32 v4, v1;
	v4 =	vld [tilespmem:s24+$0xD0]  }
0x7f: {  	[tilespmem:s24+$0x68A0] =	vst v1;
	v1 =	vld [tilespmem:s24+$0x34D0]  }
0x80: {  	v2 =	vadd.s32 v5, v2;
	v5 =	vld [tilespmem:s24+$0xE0]  }
0x81: {  	[tilespmem:s24+$0x68B0] =	vst v2;
	v2 =	vld [tilespmem:s24+$0x34E0]  }
0x82: {  	v0 =	vadd.s32 v3, v0;
	v3 =	vld [tilespmem:s24+$0xF0]  }
0x83: {  	[tilespmem:s24+$0x68C0] =	vst v0;
	v0 =	vld [tilespmem:s24+$0x34F0]  }
0x84: {  	v1 =	vadd.s32 v4, v1;
	v4 =	vld [tilespmem:s24+$0x100]  }
0x85: {  	[tilespmem:s24+$0x68D0] =	vst v1;
	v1 =	vld [tilespmem:s24+$0x3500]  }
0x86: {  	v2 =	vadd.s32 v5, v2;
	v5 =	vld [tilespmem:s24+$0x110]  }
0x87: {  	[tilespmem:s24+$0x68E0] =	vst v2;
	v2 =	vld [tilespmem:s24+$0x3510]  }
0x88: {  	v0 =	vadd.s32 v3, v0;
	v3 =	vld [tilespmem:s24+$0x120]  }
0x89: {  	[tilespmem:s24+$0x68F0] =	vst v0;
	v0 =	vld [tilespmem:s24+$0x3520]  }
0x8a: {  	v1 =	vadd.s32 v4, v1;
	v4 =	vld [tilespmem:s24+$0x130]  }
0x8b: {  	[tilespmem:s24+$0x6900] =	vst v1;
	v1 =	vld [tilespmem:s24+$0x3530]  }
0x8c: {  	v2 =	vadd.s32 v5, v2;
	v5 =	vld [tilespmem:s24+$0x140]  }
0x8d: {  	[tilespmem:s24+$0x6910] =	vst v2;
	v2 =	vld [tilespmem:s24+$0x3540]  }
0x8e: {  	v0 =	vadd.s32 v3, v0;
	v3 =	vld [tilespmem:s24+$0x150]  }
0x8f: {  	[tilespmem:s24+$0x6920] =	vst v0;
	v0 =	vld [tilespmem:s24+$0x3550]  }
0x90: {  	v1 =	vadd.s32 v4, v1;
	v4 =	vld [tilespmem:s24+$0x160]  }
0x91: {  	[tilespmem:s24+$0x6930] =	vst v1;
	v1 =	vld [tilespmem:s24+$0x3560]  }
0x92: {  	v2 =	vadd.s32 v5, v2;
	v5 =	vld [tilespmem:s24+$0x170]  }
0x93: {  	[tilespmem:s24+$0x6940] =	vst v2;
	v2 =	vld [tilespmem:s24+$0x3570]  }
0x94: {  	v0 =	vadd.s32 v3, v0;
	v3 =	vld [tilespmem:s24+$0x180]  }
0x95: {  	[tilespmem:s24+$0x6950] =	vst v0;
	v0 =	vld [tilespmem:s24+$0x3580]  }
0x96: {  	v1 =	vadd.s32 v4, v1;
	v4 =	vld [tilespmem:s24+$0x190]  }
0x97: {  	[tilespmem:s24+$0x6960] =	vst v1;
	v1 =	vld [tilespmem:s24+$0x3590]  }
0x98: {  	v2 =	vadd.s32 v5, v2;
	v5 =	vld [tilespmem:s24+$0x1A0]  }
0x99: {  	[tilespmem:s24+$0x6970] =	vst v2;
	v2 =	vld [tilespmem:s24+$0x35A0]  }
0x9a: {  	v0 =	vadd.s32 v3, v0;
	v6 =	vld [tilespmem:s24+$0x1B0]  }
0x9b: {  	[tilespmem:s24+$0x6980] =	vst v0;
	v0 =	vld [tilespmem:s24+$0x35B0]  }
0x9c: {  	v1 =	vadd.s32 v4, v1;
	v7 =	vld [tilespmem:s24+$0x1C0]  }
0x9d: {  	[tilespmem:s24+$0x6990] =	vst v1;
	v8 =	vld [tilespmem:s24+$0x35C0]  }
.Ltmp0:
0x9e: {  	v2 =	vadd.s32 v5, v2;
	v1 =	vld [tilespmem:s24+$0x1D0];
	(pc) =	sbr.rel @p1 .LBB2_2-.Ltmp0, $4  }
0x9f: {  	[tilespmem:s24+$0x69A0] =	vst v2;
	v3 =	vld [tilespmem:s24+$0x35D0]  }
0xa0: {  	v0 =	vadd.s32 v6, v0;
	v2 =	vld [tilespmem:s24+$0x1E0]  }
0xa1: {  	s26 =	sshra.s32 s25, $0x2;
	[tilespmem:s24+$0x69B0] =	vst v0;
	v4 =	vld [tilespmem:s24+$0x35E0]  }
0xa2: {  	s25 =	sadd.s32 $0x800, s25;
	v0 =	vld [tilespmem:s26+$0x1F0];
	v5 =	vadd.s32 v7, v8  }
0xa3: {  	v6 =	vld [tilespmem:s26+$0x35F0];
	[tilespmem:s24+$0x69C0] =	vst v5  }
0xa4: {  	v5 =	vld [tilespmem:s26+$0x0];
	v1 =	vadd.s32 v1, v3  }
0xa5: {  	v59 =	vld [tilespmem:s26+$0x3400];
	[tilespmem:s24+$0x69D0] =	vst v1  }
0xa6: {  	v1 =	vld [tilespmem:s26+$0x10];
	v2 =	vadd.s32 v2, v4  }
0xa7: {  	v60 =	vld [tilespmem:s26+$0x3410];
	[tilespmem:s24+$0x69E0] =	vst v2  }
0xa8: {  	v2 =	vld [tilespmem:s26+$0x20]  }
0xa9: {  	v61 =	vld [tilespmem:s26+$0x3420]  }
0xaa: {  	v63 =	vld [tilespmem:s26+$0x30]  }
0xab: {  	v8 =	vld [tilespmem:s26+$0x3430]  }
0xac: {  	v9 =	vld [tilespmem:s26+$0x40]  }
0xad: {  	v10 =	vld [tilespmem:s26+$0x3440]  }
0xae: {  	v11 =	vld [tilespmem:s26+$0x50]  }
0xaf: {  	v12 =	vld [tilespmem:s26+$0x3450]  }
0xb0: {  	v13 =	vld [tilespmem:s26+$0x60]  }
0xb1: {  	v14 =	vld [tilespmem:s26+$0x3460]  }
0xb2: {  	v15 =	vld [tilespmem:s26+$0x70]  }
0xb3: {  	v16 =	vld [tilespmem:s26+$0x3470]  }
0xb4: {  	v17 =	vld [tilespmem:s26+$0x80]  }
0xb5: {  	v18 =	vld [tilespmem:s26+$0x3480]  }
0xb6: {  	v19 =	vld [tilespmem:s26+$0x90]  }
0xb7: {  	v20 =	vld [tilespmem:s26+$0x3490]  }
0xb8: {  	v21 =	vld [tilespmem:s26+$0xA0]  }
0xb9: {  	v22 =	vld [tilespmem:s26+$0x34A0]  }
0xba: {  	v23 =	vld [tilespmem:s26+$0xB0]  }
0xbb: {  	v24 =	vld [tilespmem:s26+$0x34B0]  }
0xbc: {  	v25 =	vld [tilespmem:s26+$0xC0]  }
0xbd: {  	v26 =	vld [tilespmem:s26+$0x34C0]  }
0xbe: {  	v27 =	vld [tilespmem:s26+$0xD0]  }
0xbf: {  	v28 =	vld [tilespmem:s26+$0x34D0]  }
0xc0: {  	v29 =	vld [tilespmem:s26+$0xE0]  }
0xc1: {  	v30 =	vld [tilespmem:s26+$0x34E0]  }
0xc2: {  	v31 =	vld [tilespmem:s26+$0xF0]  }
0xc3: {  	v32 =	vld [tilespmem:s26+$0x34F0]  }
0xc4: {  	v33 =	vld [tilespmem:s26+$0x100]  }
0xc5: {  	v34 =	vld [tilespmem:s26+$0x3500]  }
0xc6: {  	v35 =	vld [tilespmem:s26+$0x110]  }
0xc7: {  	v0 =	vadd.s32 v0, v6;
	v36 =	vld [tilespmem:s26+$0x3510]  }
0xc8: {  	v37 =	vld [tilespmem:s26+$0x120];
	[tilespmem:s26+$0x69F0] =	vst v0;
	v62 =	vadd.s32 v5, v59  }
0xc9: {  	v38 =	vld [tilespmem:s26+$0x3520];
	[tilespmem:s26+$0x6800] =	vst v62;
	v1 =	vadd.s32 v1, v60  }
0xca: {  	v39 =	vld [tilespmem:s26+$0x130];
	[tilespmem:s26+$0x6810] =	vst v1;
	v2 =	vadd.s32 v2, v61  }
0xcb: {  	v40 =	vld [tilespmem:s26+$0x3530];
	v0 =	vadd.s32 v63, v8;
	[tilespmem:s26+$0x6820] =	vst v2  }
0xcc: {  	v41 =	vld [tilespmem:s26+$0x140];
	v1 =	vadd.s32 v9, v10;
	[tilespmem:s26+$0x6830] =	vst v0  }
0xcd: {  	v42 =	vld [tilespmem:s26+$0x3540];
	[tilespmem:s26+$0x6840] =	vst v1;
	v2 =	vadd.s32 v11, v12  }
0xce: {  	v43 =	vld [tilespmem:s26+$0x150];
	v0 =	vadd.s32 v13, v14;
	[tilespmem:s26+$0x6850] =	vst v2  }
0xcf: {  	v44 =	vld [tilespmem:s26+$0x3550];
	v1 =	vadd.s32 v15, v16;
	[tilespmem:s26+$0x6860] =	vst v0  }
0xd0: {  	v59 =	vld [tilespmem:s26+$0x1D0];
	[tilespmem:s26+$0x6870] =	vst v1;
	v2 =	vadd.s32 v17, v18  }
0xd1: {  	v60 =	vld [tilespmem:s26+$0x35D0];
	v0 =	vadd.s32 v19, v20;
	[tilespmem:s26+$0x6880] =	vst v2  }
0xd2: {  	v45 =	vld [tilespmem:s26+$0x160];
	v1 =	vadd.s32 v21, v22;
	[tilespmem:s26+$0x6890] =	vst v0  }
0xd3: {  	v46 =	vld [tilespmem:s26+$0x3560];
	[tilespmem:s26+$0x68A0] =	vst v1;
	v2 =	vadd.s32 v23, v24  }
0xd4: {  	v47 =	vld [tilespmem:s26+$0x170];
	v0 =	vadd.s32 v25, v26;
	[tilespmem:s26+$0x68B0] =	vst v2  }
0xd5: {  	v48 =	vld [tilespmem:s26+$0x3570];
	v1 =	vadd.s32 v27, v28;
	[tilespmem:s26+$0x68C0] =	vst v0  }
0xd6: {  	v49 =	vld [tilespmem:s26+$0x180];
	v63 =	vadd.s32 v59, v60;
	[tilespmem:s26+$0x68D0] =	vst v1  }
0xd7: {  	v50 =	vld [tilespmem:s26+$0x3580];
	v2 =	vadd.s32 v29, v30;
	[tilespmem:s26+$0x69D0] =	vst v63  }
0xd8: {  	v51 =	vld [tilespmem:s26+$0x190];
	v0 =	vadd.s32 v31, v32;
	[tilespmem:s26+$0x68E0] =	vst v2  }
0xd9: {  	v52 =	vld [tilespmem:s26+$0x3590];
	v1 =	vadd.s32 v33, v34;
	[tilespmem:s26+$0x68F0] =	vst v0  }
0xda: {  	v53 =	vld [tilespmem:s26+$0x1A0];
	[tilespmem:s26+$0x6900] =	vst v1;
	v2 =	vadd.s32 v35, v36  }
0xdb: {  	v54 =	vld [tilespmem:s26+$0x35A0];
	v0 =	vadd.s32 v37, v38;
	[tilespmem:s26+$0x6910] =	vst v2  }
0xdc: {  	v55 =	vld [tilespmem:s26+$0x1B0];
	v1 =	vadd.s32 v39, v40;
	[tilespmem:s26+$0x6920] =	vst v0  }
0xdd: {  	v56 =	vld [tilespmem:s26+$0x35B0];
	[tilespmem:s26+$0x6930] =	vst v1;
	v2 =	vadd.s32 v41, v42  }
0xde: {  	v57 =	vld [tilespmem:s26+$0x1C0];
	v0 =	vadd.s32 v43, v44;
	[tilespmem:s26+$0x6940] =	vst v2  }
0xdf: {  	v58 =	vld [tilespmem:s26+$0x35C0];
	v1 =	vadd.s32 v45, v46;
	[tilespmem:s26+$0x6950] =	vst v0  }
0xe0: {  	v62 =	vld [tilespmem:s26+$0x35E0];
	[tilespmem:s26+$0x6960] =	vst v1;
	v2 =	vadd.s32 v47, v48  }
0xe1: {  	v61 =	vld [tilespmem:s26+$0x1E0];
	v0 =	vadd.s32 v49, v50;
	[tilespmem:s26+$0x6970] =	vst v2  }
0xe2: {  	v1 =	vadd.s32 v51, v52;
	[tilespmem:s26+$0x6980] =	vst v0  }
0xe3: {  	[tilespmem:s26+$0x6990] =	vst v1;
	v2 =	vadd.s32 v53, v54  }
0xe4: {  	v0 =	vadd.s32 v55, v56;
	[tilespmem:s26+$0x69A0] =	vst v2  }
0xe5: {  	v1 =	vadd.s32 v57, v58;
	[tilespmem:s26+$0x69B0] =	vst v0  }
0xe6: {  	[tilespmem:s26+$0x69C0] =	vst v1;
	v0 =	vadd.s32 v61, v62  }
0xe7: {  	[tilespmem:s26+$0x69E0] =	vst v0  }
0xe8: {  	[bflag:$0x0] =	sbarrier.arrive $0xFFFF  }
0xe9: {  	[tilespmem:s16], [sflag:$0x1] =	stream.indirect.gather [spmem:s1], $0x40, s15, s14, $0xb8;
	[tilespmem:$0x1C4A0] =	vst v63  }
0xea: {  	_ = 	snop  }
0xeb: {  	[tilespmem:s18], [sflag:$0x2] =	stream.indirect.gather [spmem:s1], $0x40, s17, s14, $0xb8;
	[tilespmem:$0x1C4A0] =	vst v63  }
0xec: {  	_ =	swait.ge [sflag:s19], $0x8000  }
0xed: {  	[sflag:s19] =	ssyncset.done $0x0  }
0xee: {  	s29 =	sadd.s32 $0x0, s10;
	[sflag:s19] =	ssyncadd.s32 $0xFFFF8000  }
0xef: {  	[hbm4b:s29+s2] =	stream.linear.scatter [tilespmem:s16], [sflag:$0x3], $0x8000, $0x38;
	[tilespmem:$0x1C4A0] =	vst v63  }
0xf0: {  	_ =	swait.ge [sflag:s20], $0x8000  }
0xf1: {  	[sflag:s20] =	ssyncset.done $0x0  }
0xf2: {  	s30 =	simm.s32 $0x6C00;
	[sflag:s20] =	ssyncadd.s32 $0xFFFF8000  }
0xf3: {  	[tilespmem:s16], [sflag:$0x1] =	stream.indirect.gather [spmem:s1], $0x40, s30, s14, $0xb8;
	[tilespmem:$0x1C4A0] =	vst v63  }
0xf4: {  	_ =	swait.ge [sflag:s21], $0x8000  }
0xf5: {  	[sflag:s21] =	ssyncset.done $0x0  }
0xf6: {  	s31 =	sadd.s32 $0x0, s9;
	[sflag:s21] =	ssyncadd.s32 $0xFFFF8000  }
0xf7: {  	[hbm4b:s31+s2] =	stream.linear.scatter [tilespmem:s18], [sflag:$0x4], $0x8000, $0x38;
	[tilespmem:$0x1C4A0] =	vst v63  }
0xf8: {  	_ =	swait.ge [sflag:s22], $0x8000  }
0xf9: {  	s25 =	simm.s32 $0x2000;
	[sflag:s22] =	ssyncset.done $0x0  }
0xfa: {  	s24 =	simm.s32 $0x6E00;
	s26 =	simm.s32 $0x7200;
	[sflag:s22] =	ssyncadd.s32 $0xFFFF8000  }
.LBB2_4:
0xfb: {  	[tilespmem:s18], [sflag:$0x2] =	stream.indirect.gather [spmem:s1], $0x40, s24, s14, $0xb8;
	[tilespmem:$0x1C4A0] =	vst v63  }
0xfc: {  	s28 =	smov.u32 s25;
	s24 =	smov.u32 s26  }
0xfd: {  	p1 =	sne.s32 s25, $0x16000;
	s25 =	sadd.s32 $0x2000, s25;
	_ =	swait.ge [sflag:s19], $0x8000  }
0xfe: {  	[sflag:s19] =	ssyncset.done $0x0  }
0xff: {  	s29 =	sadd.s32 s28, s10;
	[sflag:s19] =	ssyncadd.s32 $0xFFFF8000  }
0x100: {  	[hbm4b:s29+s2] =	stream.linear.scatter [tilespmem:s16], [sflag:$0x3], $0x8000, $0x38;
	[tilespmem:$0x1C4A0] =	vst v63  }
0x101: {  	_ =	swait.ge [sflag:s20], $0x8000  }
0x102: {  	[sflag:s20] =	ssyncset.done $0x0  }
0x103: {  	s29 =	sadd.s32 $0xFFFFFE00, s26;
	[sflag:s20] =	ssyncadd.s32 $0xFFFF8000  }
0x104: {  	[tilespmem:s16], [sflag:$0x1] =	stream.indirect.gather [spmem:s1], $0x40, s29, s14, $0xb8;
	[tilespmem:$0x1C4A0] =	vst v63  }
0x105: {  	_ =	swait.ge [sflag:s21], $0x8000  }
0x106: {  	[sflag:s21] =	ssyncset.done $0x0  }
.Ltmp1:
0x107: {  	s28 =	sadd.s32 s28, s9;
	[sflag:s21] =	ssyncadd.s32 $0xFFFF8000;
	(pc) =	sbr.rel @p1 .LBB2_4-.Ltmp1, $4  }
0x108: {  	[hbm4b:s28+s2] =	stream.linear.scatter [tilespmem:s18], [sflag:$0x4], $0x8000, $0x38;
	[tilespmem:$0x1C4A0] =	vst v63  }
0x109: {  	_ =	swait.ge [sflag:s22], $0x8000  }
0x10a: {  	[sflag:s22] =	ssyncset.done $0x0  }
0x10b: {  	s26 =	sadd.s32 $0x400, s26;
	[sflag:s22] =	ssyncadd.s32 $0xFFFF8000  }
0x10c: {  	[tilespmem:s18], [sflag:$0x2] =	stream.indirect.gather [spmem:s1], $0x40, s24, s14, $0xb8;
	[tilespmem:$0x1C4A0] =	vst v63  }
0x10d: {  	_ =	swait.ge [sflag:s19], $0x8000  }
0x10e: {  	[sflag:s19] =	ssyncset.done $0x0  }
0x10f: {  	[sflag:s19] =	ssyncadd.s32 $0xFFFF8000  }
0x110: {  	[hbm4b:s7+s2] =	stream.linear.scatter [tilespmem:s16], [sflag:$0x3], $0x8000, $0x38;
	[tilespmem:$0x1C4A0] =	vst v63  }
0x111: {  	_ =	swait.ge [sflag:s21], $0x8000  }
0x112: {  	[sflag:s21] =	ssyncset.done $0x0  }
0x113: {  	s23 =	sadd.s32 $0x1, s23;
	[sflag:s21] =	ssyncadd.s32 $0xFFFF8000  }
0x114: {  	[hbm4b:s8+s2] =	stream.linear.scatter [tilespmem:s18], [sflag:$0x4], $0x8000, $0x38;
	[tilespmem:$0x1C4A0] =	vst v63  }
0x115: {  	p1 =	sne.s32 s23, s6;
	_ =	swait.ge [sflag:s20], $0x8000  }
.Ltmp2:
0x116: {  	[sflag:s20] =	ssyncset.done $0x0;
	(pc) =	sbr.rel @p1 .LBB2_1-.Ltmp2, $4  }
0x117: {  	[sflag:s20] =	ssyncadd.s32 $0xFFFF8000  }
0x118: {  	_ =	swait.ge [sflag:s22], $0x8000  }
0x119: {  	[sflag:s22] =	ssyncset.done $0x0  }
0x11a: {  	[sflag:s22] =	ssyncadd.s32 $0xFFFF8000  }
0x11b: {  	_ =	sfence.sel $0x180000  }
0x11c: {  	[bflag:$0x0] =	sbarrier.arrive $0xFFFF  }
0x11d: {  	_ =	strace $0x90000047  }
0x11e: {  	s0 =	sadd.s32 @!p0 $0x100000, s0;
	[bflag:$0x2] =	sbarrier.arrive $0xFFFF  }
0x11f: {  	[sflag:s0] =	ssyncadd.tile.s32 @!p0 $0x1;
	_ =	shalt  }
.Lfunc_end2:
_tile_overlayer_lowered:
.L_overlay_start_2:
0x120: {  	(tag) =	ssettag $0x2  }
0x121: {  	s0 =	rddreg [dreg:$0x0];
	s2 =	stileid.u32  }
0x122: {  	s1 =	rddreg [dreg:$0x1];
	p0 =	sne.s32 s2, $0x0  }
0x123: {  	s3 =	rddreg [dreg:$0x2];
	[bflag:$0x3] =	sbarrier.arrive $0xFFFF;
	s2 =	simm.s32 @!p0 $0x1C05  }
0x124: {  	[timem:s3], [sflag:s2] =	dma.local @!p0 [hbm:s0], s1  }
0x125: {  	s0 =	simm.s32 @!p0 $0x5  }
0x126: {  	_ =	swait.ge @!p0 [sflag:s0], s1  }
0x127: {  	s1 =	ssub.s32 @!p0 $0x0, s1;
	[sflag:s0] =	ssyncset.done @!p0 $0x0  }
0x128: {  	[sflag:s0] =	ssyncadd.s32 @!p0 s1  }
0x129: {  	[bflag:$0x3] =	sbarrier.arrive $0xFFFF  }
0x12a: {  	_ =	shalt  }

// kernel: sparse-core-data-format-call.cloned.1.call-start
scs
called_computation_lowered:
.L_overlay_start_0:
0x0: {  	s2 =	sld [smem:$0x3FD9]  }
0x1: {  	s3 =	sld [smem:$0x3FFE];
	_ =	sdelay $0x1  }
0x2: {  	s1 =	srdreg.scid  }
0x3: {  	s0 =	sand.u32 $0x1, s1  }
0x4: {  	s18 =	sshll.u32 s0, $0xA;
	s2 =	sadd.s32 s3, s2  }
0x5: {  	s2 =	sadd.s32 s2, s18  }
0x6: {  	[smem:$0x3FC6] =	sst s2  }
0x7: {  	_ = 	snop  }
0x8: {  	s2 =	sld [smem:$0x3FD0];
	(tm) =	ssettm $0x1  }
0x9: {  	s19 =	sld [smem:$0x3FFB];
	_ =	sdelay $0x3  }
0xa: {  	_ =	strace s19  }
0xb: {  	s3 =	sld [smem:$0x3FFC];
	_ =	sdelay $0x3  }
0xc: {  	_ =	strace s3  }
0xd: {  	s3 =	sld [smem:$0x3FFD];
	_ =	sdelay $0x3  }
0xe: {  	_ =	strace s3  }
0xf: {  	_ =	strace $0x8FFFFFFF  }
0x10: {  	s20 =	sld [smem:$0x3FDB];
	_ =	sdelay $0x1  }
0x11: {  	s4 =	simm.s32 $_scs_section_size  }
0x12: {  	s5 =	simm.s32 $_size__tile_overlayer_lowered;
	s6 =	simm.s32 $_tile_overlayer_lowered  }
0x13: {  	s23 =	simm.s32 $0x1BFF;
	s22 =	sshll.u32 s6, $0x1;
	s3 =	sadd.s32 s4, s20  }
0x14: {  	s7 =	simm.s32 $0x0;
	s21 =	sshll.u32 s5, $0x1;
	s5 =	sadd.s32 s22, s3  }
0x15: {  	[timem:s7], [sflag:s23] =	dma.local [hbm:s5], s21  }
0x16: {  	_ =	swait.ge [sflag:s23], s21  }
0x17: {  	s4 =	ssub.s32 $0x0, s21;
	[sflag:s23] =	ssyncset.done $0x0  }
0x18: {  	[sflag:s23] =	ssyncadd.s32 s4;
	_ =	sdelay $0x1  }
0x19: {  	s24 =	simm.s32 $0x1B8B  }
0x1a: {  	_ =	swait.ge [sflag:s24], $0x1  }
0x1b: {  	[sflag:s24] =	ssyncset.done $0x0  }
0x1c: {  	s26 =	simm.s32 $0x1B8E;
	s25 =	sld [smem:$0x3FFE];
	[sflag:s24] =	ssyncadd.s32 $0xFFFFFFFF  }
0x1d: {  	s27 =	simm.s32 $execute0_lowered;
	[smem:$0x3FD2] =	sst s26  }
0x1e: {  	s5 =	sshll.u32 s27, $0x1;
	_ =	strace $0x80000049;
	[dreg:$0x1] =	wrdreg $0xFFFFFFFF  }
0x1f: {  	s28 =	simm.s32 $_size_execute0_lowered;
	s3 =	sadd.s32 s3, s5;
	[dreg:$0x0] =	wrdreg $0x0  }
0x20: {  	s5 =	sshll.u32 s28, $0x1;
	[dreg:$0x2] =	wrdreg s3  }
0x21: {  	[dreg:$0x3] =	wrdreg s5  }
0x22: {  	[dreg:$0x4] =	wrdreg $0xC0  }
0x23: {  	_ =	task [dreg:s7], $0x5FFFF  }
0x24: {  	[dreg:$0x1] =	wrdreg $0xFFFFFFFF  }
0x25: {  	[dreg:$0x0] =	wrdreg $0x60  }
0x26: {  	[dreg:$0x2] =	wrdreg s25  }
0x27: {  	[dreg:$0x3] =	wrdreg s2  }
0x28: {  	[dreg:$0x4] =	wrdreg $0x9  }
0x29: {  	_ =	task.clear_ibuf [dreg:s7], $0x5FFFF;
	_ =	strace $0x90000049  }
0x2a: {  	s29 =	simm.s32 $0x9;
	_ =	strace $0x8000004B  }
0x2b: {  	_ =	swait.ge [sflag:s29], $0x1  }
0x2c: {  	[sflag:s29] =	ssyncadd.s32 $0xFFFFFFFF  }
0x2d: {  	_ =	strace $0x9000004B  }
0x2e: {  	_ =	sfence  }
0x2f: {  	s30 =	sld [smem:$0x0];
	_ =	sdelay $0x2  }
0x30: {  	s31 =	sshll.u32 s1, $0xD;
	s1 =	sshrl.u32 s1, $0x2  }
0x31: {  	s3 =	sand.u32 $0x4000, s31;
	s1 =	sadd.s32 s1, s30  }
0x32: {  	s0 =	sor.u32 s3, s0;
	s1 =	sshll.u32 s1, $0x11  }
0x33: {  	s0 =	sor.u32 s1, s0  }
0x34: {  	s0 =	sadd.s32 $0x8F2B, s0  }
0x35: {  	[sflag:s0] =	ssyncadd.remote.s32 $0x1  }
0x36: {  	_ =	sfence.sel $0xFFFF  }
0x37: {  	[dreg:$0x0] =	wrdreg $0xFFFFFFFF;
	(pc) =	sbr.abs _section_cstart, $3  }
0x38: {  	[dreg:$0x1] =	wrdreg $0xFFFFFFFF  }
0x39: {  	_ =	task.clear_ibuf [dreg:s7], $0x2FFFF;
	_ =	strace $0x9FFFFFFF  }
0x3a: {  	(tm) =	ssettm $0x7FFFFFFF  }
0x3b: {  	_ =	shalt  }
tec
execute0_lowered:
.L_overlay_start_1:
0x0: {  	(tag) =	ssettag $0x1  }
0x1: {  	s0 =	srdreg.scid  }
0x2: {  	s1 =	sshll.u32 s0, $0x4  }
0x3: {  	s0 =	stileid.u32;
	s1 =	sand.u32 $0x10, s1  }
0x4: {  	s1 =	sor.u32 s0, s1  }
0x5: {  	s6 =	rddreg [dreg:$0x0];
	s4 =	simm.s32 $0x1;
	s2 =	sshll.u32 s1, $0x7  }
0x6: {  	s7 =	simm.s32 $0x2;
	s12 =	simm.s32 $0x0;
	s1 =	ssub.s32 $0x4000, s2  }
0x7: {  	s8 =	simm.s32 $0x20000;
	s13 =	simm.s32 $0x0;
	s3 =	sand.u32 $0xF80, s1  }
0x8: {  	s9 =	simm.s32 $0x0;
	s5 =	sshrl.u32 s1, $0xC;
	p0 =	sne.s32 s3, $0x0  }
.Ltmp0:
0x9: {  	s1 =	rddreg [dreg:$0x2];
	s4 =	simm.s32 @!p0 $0x0;
	(pc) =	sbr.rel .LBB1_1-.Ltmp0, $4  }
0xa: {  	s11 =	simm.s32 $0x0;
	s3 =	rddreg [dreg:$0x1];
	s5 =	sadd.s32 s4, s5  }
0xb: {  	_ =	strace $0x8000004A;
	s4 =	simm.s32 $0x1;
	s5 =	smul.u32 $0x1A, s5  }
0xc: {  	s6 =	sadd.s32 $0x800, s6;
	s10 =	smov.u32 s2;
	[sflag:s4] =	ssyncpa.u1 $0x0  }
0xd: {  	p0 =	por $0x0, $0x0;
	[sflag:s7] =	ssyncpa.u1 $0x0;
	s7 =	sor.u32 $0x1, s5  }
.LBB1_4:
0xe: {  	s16 =	sshll.u32 s13, $0x3;
	s17 =	sand.u32 $0x78, s13  }
0xf: {  	s30 =	sand.u32 $0x1F800, s13;
	s12 =	sshll.u32 s12, $0x11;
	s16 =	sand.u32 $0x3C00, s16  }
0x10: {  	[tilespmem:s15+$0x810 ss:$0x81] =	vst.msk $0xffff, v2;
	s31 =	sand.u32 $0x7, s13;
	s16 =	sor.u32 s17, s16;
	s17 =	sadd.s32 s3, s30  }
0x11: {  	[tilespmem:s15+$0x1020 ss:$0x81] =	vst.msk $0xffff, v0;
	s13 =	sshll.u32 s31, $0x12;
	s12 =	sadd.s32 s12, s17;
	s16 =	sshrl.u32 s16, $0x3  }
0x12: {  	[tilespmem:s15+$0x0 ss:$0x81] =	vst.msk $0xffff, v1;
	s13 =	sor.u32 $0x400, s13;
	s12 =	sadd.s32 s16, s12  }
0x13: {  	[hbm4b:s12+s13] =	stream.strided.scatter [tilespmem:s14], [sflag:$0x2], $0x2000, s8, s13, $0x20;
	[tilespmem:$0x8080] =	vst v63  }
.LBB1_5:
0x14: {  	s14 =	sadd.s32 $0x1, s9  }
0x15: {  	s12 =	sadd.s32 $0x1000, s10;
	s16 =	smov.u32 s10;
	p2 =	sgt.s32 s14, $0x19  }
0x16: {  	s16 =	smov.u32 @p2 s12  }
0x17: {  	s14 =	simm.s32 @p2 $0x0;
	p2 =	sgt.s32 s16, $0x3FFF  }
0x18: {  	s16 =	smov.u32 @p2 s2;
	p2 =	sne.s32 s11, s7  }
.Ltmp1:
0x19: {  	p1 =	slt.u32 s11, $0x2;
	(pc) =	sbr.rel @!p2 .LBB1_6-.Ltmp1, $4  }
0x1a: {  	s15 =	simm.s32 @!p1 $0x2  }
0x1b: {  	s13 =	smov.u32 s10;
	p0 =	por !p0, !p0;
	_ =	swait.ge @!p1 [sflag:s15], $0x2000  }
0x1c: {  	s12 =	smov.u32 s9;
	[sflag:s15] =	ssyncset.done @!p1 $0x0;
	s9 =	smov.u32 s14  }
0x1d: {  	s11 =	sadd.s32 $0x1, s11;
	[sflag:s15] =	ssyncadd.s32 @!p1 $0xFFFFE000;
	s10 =	smov.u32 s16  }
.LBB1_1:
0x1e: {  	p1 =	sge.u32 s11, s5  }
0x1f: {  	s31 =	sadd.s32 $0xFFFFFFFF, s11;
	s14 =	sxor.u32 @!p1 $0xFFFFFFFF, s11  }
0x20: {  	s15 =	sshll.u32 @!p1 s10, $0x9;
	s16 =	sshll.u32 @!p1 s9, $0x4;
	s17 =	simm.s32 @!p1 $0x1000  }
0x21: {  	s14 =	sshll.u32 @!p1 s14, $0xD;
	s16 =	sand.u32 @!p1 $0x1F0, s16;
	s15 =	sadd.s32 @!p1 s6, s15  }
0x22: {  	s14 =	sand.u32 @!p1 $0x2000, s14;
	s15 =	sadd.s32 @!p1 s16, s15;
	s16 =	simm.s32 @!p1 $0x40  }
0x23: {  	[tilespmem:s14], [sflag:$0x1] =	stream.strided.gather @!p1 [hbm4b:s15+s16], $0x2000, s17, s16, $0x38;
	[tilespmem:$0x8080] =	vst v63  }
0x24: {  	p1 =	sge.u32 s31, s5  }
.Ltmp2:
0x25: {  	_ = 	snop;
	(pc) =	sbr.rel @p1 .LBB1_5-.Ltmp2, $1  }
0x26: {  	_ =	sdelay $0x3  }
0x27: {  	s14 =	simm.s32 $0x1  }
0x28: {  	_ =	swait.ge [sflag:s4], $0x2000;
	s14 =	simm.s32 @!p0 $0x0  }
0x29: {  	[sflag:s4] =	ssyncset.done $0x0;
	s15 =	sshll.u32 s14, $0xD  }
0x2a: {  	[sflag:s4] =	ssyncadd.s32 $0xFFFFE000;
	s18 =	sor.u32 $0x20, s15  }
0x2b: {  	s14 =	smul.u32 $0x8100, s14;
	v3 =	vld [tilespmem:s18+$0x10]  }
0x2c: {  	s30 =	sand.u32 $0x1, s11;
	v2 =	vld [tilespmem:s18+$0xFFFFFFF0]  }
0x2d: {  	s15 =	smul.u32 $0x8100, s30;
	s14 =	sshrl.u32 s14, $0x2;
	v0 =	vld [tilespmem:s18+$0x0]  }
0x2e: {  	v1 =	vld [tilespmem:s18+$0xFFFFFFE0];
	s16 =	sor.u32 $0x4000, s14  }
0x2f: {  	s31 =	sshrl.u32 s15, $0x2;
	s15 =	sadd.s32 $0x0, s16  }
0x30: {  	s17 =	simm.s32 $0x4;
	s18 =	sadd.s32 $0x40, s18;
	s14 =	sor.u32 $0x4000, s31;
	[tilespmem:s15+$0x1830 ss:$0x81] =	vst.msk $0xffff, v3  }
.LBB1_3:
0x31: {  	v3 =	vld [tilespmem:s18+$0x10];
	p1 =	sne.s32 s17, $0x1FC;
	[tilespmem:s15+$0x810 ss:$0x81] =	vst.msk $0xffff, v2;
	s19 =	smov.u32 s17;
	s17 =	sadd.s32 $0x4, s17  }
.Ltmp3:
0x32: {  	v2 =	vld [tilespmem:s18+$0xFFFFFFF0];
	[tilespmem:s15+$0x1020 ss:$0x81] =	vst.msk $0xffff, v0;
	(pc) =	sbr.rel @p1 .LBB1_3-.Ltmp3, $4  }
0x33: {  	v0 =	vld [tilespmem:s18+$0x0];
	[tilespmem:s15+$0x0 ss:$0x81] =	vst.msk $0xffff, v1  }
0x34: {  	s15 =	sshra.s32 s19, $0x2;
	v1 =	vld [tilespmem:s18+$0xFFFFFFE0]  }
0x35: {  	s15 =	sadd.s32 s15, s16  }
0x36: {  	s18 =	sadd.s32 $0x40, s18;
	[tilespmem:s15+$0x1830 ss:$0x81] =	vst.msk $0xffff, v3  }
.Ltmp4:
0x37: {  	_ = 	snop;
	(pc) =	sbr.rel .LBB1_4-.Ltmp4, $1  }
0x38: {  	_ =	sdelay $0x3  }
.LBB1_6:
0x39: {  	_ =	sfence.sel $0x180000  }
0x3a: {  	s2 =	simm.s32 $0x1;
	[bflag:$0x0] =	sbarrier.arrive $0xFFFF  }
0x3b: {  	s31 =	simm.s32 $0x2;
	[sflag:s2] =	ssyncpa.u1 $0x1  }
0x3c: {  	[sflag:s31] =	ssyncpa.u1 $0x1  }
0x3d: {  	p0 =	sne.s32 s0, $0x0;
	_ =	strace $0x9000004A  }
0x3e: {  	s0 =	sadd.s32 @!p0 $0x100000, s1;
	[bflag:$0x2] =	sbarrier.arrive $0xFFFF  }
0x3f: {  	[sflag:s0] =	ssyncadd.tile.s32 @!p0 $0x1;
	_ =	shalt  }
.Lfunc_end1:
_tile_overlayer_lowered:
.L_overlay_start_2:
0x40: {  	(tag) =	ssettag $0x2  }
0x41: {  	s0 =	rddreg [dreg:$0x0];
	s2 =	stileid.u32  }
0x42: {  	s1 =	rddreg [dreg:$0x1];
	p0 =	sne.s32 s2, $0x0  }
0x43: {  	s3 =	rddreg [dreg:$0x2];
	[bflag:$0x3] =	sbarrier.arrive $0xFFFF;
	s2 =	simm.s32 @!p0 $0x1C01  }
0x44: {  	[timem:s3], [sflag:s2] =	dma.local @!p0 [hbm:s0], s1  }
0x45: {  	s0 =	simm.s32 @!p0 $0x1  }
0x46: {  	_ =	swait.ge @!p0 [sflag:s0], s1  }
0x47: {  	s1 =	ssub.s32 @!p0 $0x0, s1;
	[sflag:s0] =	ssyncset.done @!p0 $0x0  }
0x48: {  	[sflag:s0] =	ssyncadd.s32 @!p0 s1  }
0x49: {  	[bflag:$0x3] =	sbarrier.arrive $0xFFFF  }
0x4a: {  	_ =	shalt  }

</sc_bundles>
